<compile_context>
chip_gen: v7x
topology: tpu7x:2x2x1
jax: 0.10.2.dev20260603
libtpu: 0.0.44.dev20260713+nightly
codegen_flags: <defaults>
</compile_context>

<pallas_src>
import functools

import jax
import jax.numpy as jnp
from jax import lax
from jax.experimental import pallas as pl
from jax.experimental.pallas import tpu as pltpu
from jax.experimental.pallas import tpu_sc as plsc

B0, B1 = 4096, 200
D = 64
N_CHAIN = 17
N_COPY = 9
N_FUSED = N_CHAIN * N_COPY
FSTRIDE = D + 1
NC, NS, L = 2, 16, 16
NW = NC * NS
KT = D // 8
N_SLABS = B1 * KT
SLABS_PER_W = N_SLABS // NW
N_GROUPS = B0 // L


_mesh = plsc.VectorSubcoreMesh(core_axis_name="c", subcore_axis_name="s")


@functools.partial(
    pl.kernel,
    mesh=_mesh,
    out_type=jax.ShapeDtypeStruct((B1, D, B0), jnp.float32),
    compiler_params=pltpu.CompilerParams(needs_layout_passes=False),
    scratch_types=[
        pltpu.VMEM((N_CHAIN * D,), jnp.float32),
        pltpu.VMEM((N_COPY * D,), jnp.float32),
        pltpu.VMEM((N_FUSED * FSTRIDE,), jnp.float32),
        pltpu.VMEM((B0,), jnp.int32),
        pltpu.VMEM((B0,), jnp.int32),
        pltpu.VMEM((B0,), jnp.int32),
        pltpu.VMEM((B0,), jnp.int32),
        pltpu.VMEM((1, 8, B0), jnp.float32),
        pltpu.VMEM((1, 8, B0), jnp.float32),
        pltpu.SemaphoreType.DMA,
        pltpu.SemaphoreType.DMA,
        pltpu.SemaphoreType.DMA,
        pltpu.SemaphoreType.DMA,
    ],
)
def _emb_kernel(cid_hbm, pid_hbm, cw_hbm, pw_hbm, out_hbm,
                cw_v, pw_v, ftab, cid0, cid1, pid0, pid1, out0, out1,
                sem0, sem1, isem0, isem1):
    wid = lax.axis_index("s") * NC + lax.axis_index("c")
    base_slab = wid * SLABS_PER_W

    pltpu.sync_copy(cw_hbm, cw_v)
    pltpu.sync_copy(pw_hbm, pw_v)

    @plsc.parallel_loop(0, N_FUSED)
    def _build(i):
        c = i // N_COPY
        p = i - c * N_COPY
        for d in range(D // L):
            cvals = cw_v[pl.ds(c * D + d * L, L)]
            pvals = pw_v[pl.ds(p * D + d * L, L)]
            ftab[pl.ds(i * FSTRIDE + d * L, L)] = cvals + pvals

    def idx_copies(slab, cbuf, pbuf, isem):
        j = (base_slab + slab) // KT
        row0 = j * B0
        return (pltpu.make_async_copy(cid_hbm.at[pl.ds(row0, B0)], cbuf, isem),
                pltpu.make_async_copy(pid_hbm.at[pl.ds(row0, B0)], pbuf, isem))

    def do_slab(slab, cbuf, pbuf, buf):
        kt = (base_slab + slab) % KT

        @plsc.parallel_loop(0, N_GROUPS)
        def _group(g):
            cid = cbuf[pl.ds(g * L, L)]
            pid = pbuf[pl.ds(g * L, L)]
            fidx = cid * N_COPY + pid
            wb = (fidx * D + fidx) + kt * 8
            i0 = g * L
            for ks in range(8):
                vals = plsc.load_gather(ftab, [wb + ks])
                buf[0, ks, pl.ds(i0, L)] = vals

    def out_copy(slab, buf, sem):
        s = base_slab + slab
        j = s // KT
        kt = s - j * KT
        return pltpu.make_async_copy(
            buf, out_hbm.at[pl.ds(j, 1), pl.ds(kt * 8, 8), :], sem)

    cbufs, pbufs, bufs, sems, isems = (
        (cid0, cid1), (pid0, pid1), (out0, out1), (sem0, sem1), (isem0, isem1))

    for cp in idx_copies(0, cid0, pid0, isem0):
        cp.start()

    def step(s, carry):
        for b in range(2):
            slab = s * 2 + b

            def _prefetch(slab=slab, b=b):
                for cp in idx_copies(slab + 1, cbufs[1 - b], pbufs[1 - b],
                                     isems[1 - b]):
                    cp.start()
            if b == 0:
                _prefetch()
            else:
                pl.when(s < SLABS_PER_W // 2 - 1)(_prefetch)

            for cp in idx_copies(slab, cbufs[b], pbufs[b], isems[b]):
                cp.wait()

            @pl.when(s > 0)
            def _wait(b=b, slab=slab):
                out_copy(slab - 2, bufs[b], sems[b]).wait()

            do_slab(slab, cbufs[b], pbufs[b], bufs[b])
            out_copy(slab, bufs[b], sems[b]).start()
        return carry
    lax.fori_loop(0, SLABS_PER_W // 2, step, 0)

    for b in range(2):
        out_copy(SLABS_PER_W - 2 + b, bufs[b], sems[b]).wait()


def kernel(chain_ids, copy_ids, chain_weight, copy_weight):
    out_t = _emb_kernel(
        chain_ids.T.reshape(-1),
        copy_ids.T.reshape(-1),
        chain_weight.reshape(-1),
        copy_weight.reshape(-1),
    )
    return jnp.transpose(out_t, (2, 0, 1))

# --- scband reference (transcript-rebuilt; emitter-appended) ---
"""Pipeline reference for scband-multi-chain-embedding-80109730005196 (READ-ONLY COPY).

The authoritative reference and input builder live on the scoring server;
editing this copy changes nothing except your own understanding.
"""

import jax, jax.numpy as jnp
import numpy as np


def setup_inputs(seed: int = 0) -> dict:
    key = jax.random.key(seed)
    k1, k2, k3, k4 = jax.random.split(key, 4)
    chain_ids = jax.random.randint(k1, (4096, 200), 0, 17, dtype=jnp.int64) if jax.config.jax_enable_x64 else jax.random.randint(k1, (4096, 200), 0, 17, dtype=jnp.int32)
    copy_ids = jax.random.randint(k2, (4096, 200), 0, 9, dtype=jnp.int32)
    chain_ids = chain_ids.astype(jnp.int32)
    # Embedding tables sized per init_kwargs: (max_chains+1, embed_dim), (max_copies+1, embed_dim)
    chain_weight = jax.random.normal(k3, (17, 64), dtype=jnp.float32)
    copy_weight = jax.random.normal(k4, (9, 64), dtype=jnp.float32)
    # padding_idx=0: row 0 is zero-initialized in nn.Embedding
    chain_weight = chain_weight.at[0].set(0.0)
    copy_weight = copy_weight.at[0].set(0.0)
    return {
        "chain_ids": chain_ids,
        "copy_ids": copy_ids,
        "chain_weight": chain_weight,
        "copy_weight": copy_weight,
    }


def reference(chain_ids, copy_ids, chain_weight, copy_weight):
    # MultiChainEmbedding.forward: chain_embed(chain_ids) + copy_embed(copy_ids)
    chain_emb = jnp.take(chain_weight, chain_ids, axis=0)
    copy_emb = jnp.take(copy_weight, copy_ids, axis=0)
    return chain_emb + copy_emb

if __name__ == "__main__":
    import jax
    _d = setup_inputs()
    print(jax.jit(kernel)(*tuple(_d.values())))

</pallas_src>

<mosaic_0001>
#map = affine_map<(d0, d1) -> (0)>
#map1 = affine_map<(d0, d1) -> (0, 0, 0)>
module attributes {stable_mosaic.version = 14 : i64} {
  func.func @_emb_kernel(%arg0: i32, %arg1: i32, %arg2: memref<819200xi32, #tpu.memory_space<hbm>>, %arg3: memref<819200xi32, #tpu.memory_space<hbm>>, %arg4: memref<1088xf32, #tpu.memory_space<hbm>>, %arg5: memref<576xf32, #tpu.memory_space<hbm>>, %arg6: memref<200x64x4096xf32, #tpu.memory_space<hbm>>, %arg7: memref<1088xf32, #tpu.memory_space<vmem>>, %arg8: memref<576xf32, #tpu.memory_space<vmem>>, %arg9: memref<9945xf32, #tpu.memory_space<vmem>>, %arg10: memref<4096xi32, #tpu.memory_space<vmem>>, %arg11: memref<4096xi32, #tpu.memory_space<vmem>>, %arg12: memref<4096xi32, #tpu.memory_space<vmem>>, %arg13: memref<4096xi32, #tpu.memory_space<vmem>>, %arg14: memref<1x8x4096xf32, #tpu.memory_space<vmem>>, %arg15: memref<1x8x4096xf32, #tpu.memory_space<vmem>>, %arg16: memref<!tpu.dma_semaphore, #tpu.memory_space<semaphore_mem>>, %arg17: memref<!tpu.dma_semaphore, #tpu.memory_space<semaphore_mem>>, %arg18: memref<!tpu.dma_semaphore, #tpu.memory_space<semaphore_mem>>, %arg19: memref<!tpu.dma_semaphore, #tpu.memory_space<semaphore_mem>>) attributes {dimension_semantics = [#tpu.dimension_semantics<core_parallel>, #tpu.dimension_semantics<subcore_parallel>], iteration_bounds = array<i64: 2, 16>, scalar_prefetch = 0 : i64, scratch_operands = 13 : i64, tpu.core_type = #tpu.core_type<sc_vector_subcore>, window_params = [{transform_indices = #map}, {transform_indices = #map}, {transform_indices = #map}, {transform_indices = #map}, {transform_indices = #map1}]} {
    %mul3A = arith.constant 2 : i32
    %mul3A_0 = arith.muli %arg1, %mul3A : i32
    %add3A = arith.addi %mul3A_0, %arg0 : i32
    %mul3A_1 = arith.constant 50 : i32
    %mul3A_2 = arith.muli %add3A, %mul3A_1 : i32
    "tpu.region"() ({
      %run_scoped3A = tpu.sem_alloc : memref<!tpu.dma_semaphore, #tpu.memory_space<semaphore_mem>>
      tpu.enqueue_dma source(%arg4 : memref<1088xf32, #tpu.memory_space<hbm>>) target(%arg7 : memref<1088xf32, #tpu.memory_space<vmem>>) target_semaphore(%run_scoped3A : memref<!tpu.dma_semaphore, #tpu.memory_space<semaphore_mem>>)
      tpu.wait_dma2 semaphore(%run_scoped3A : memref<!tpu.dma_semaphore, #tpu.memory_space<semaphore_mem>>) src(%arg4 : memref<1088xf32, #tpu.memory_space<hbm>>) dst(%arg7 : memref<1088xf32, #tpu.memory_space<vmem>>)
      tpu.yield
    }) : () -> ()
    "tpu.region"() ({
      %run_scoped3A = tpu.sem_alloc : memref<!tpu.dma_semaphore, #tpu.memory_space<semaphore_mem>>
      tpu.enqueue_dma source(%arg5 : memref<576xf32, #tpu.memory_space<hbm>>) target(%arg8 : memref<576xf32, #tpu.memory_space<vmem>>) target_semaphore(%run_scoped3A : memref<!tpu.dma_semaphore, #tpu.memory_space<semaphore_mem>>)
      tpu.wait_dma2 semaphore(%run_scoped3A : memref<!tpu.dma_semaphore, #tpu.memory_space<semaphore_mem>>) src(%arg5 : memref<576xf32, #tpu.memory_space<hbm>>) dst(%arg8 : memref<576xf32, #tpu.memory_space<vmem>>)
      tpu.yield
    }) : () -> ()
    %parallel_loop3A = arith.constant 0 : i32
    %parallel_loop3A_3 = arith.constant 153 : i32
    %parallel_loop3A_4 = arith.constant 1 : i32
    scf.for %parallel_loop3A_102 = %parallel_loop3A to %parallel_loop3A_3 step %parallel_loop3A_4  : i32 {
      %parallel_loop3A_103 = arith.constant 9 : i32
      %parallel_loop3A_104 = arith.divsi %parallel_loop3A_102, %parallel_loop3A_103 : i32
      %parallel_loop3A_105 = arith.constant 0 : i32
      %parallel_loop3A_106 = arith.cmpi sgt, %parallel_loop3A_102, %parallel_loop3A_105 : i32
      %parallel_loop3A_107 = arith.extui %parallel_loop3A_106 : i1 to i32
      %parallel_loop3A_108 = arith.constant 0 : i32
      %parallel_loop3A_109 = arith.cmpi slt, %parallel_loop3A_102, %parallel_loop3A_108 : i32
      %parallel_loop3A_110 = arith.extui %parallel_loop3A_109 : i1 to i32
      %parallel_loop3A_111 = arith.subi %parallel_loop3A_107, %parallel_loop3A_110 : i32
      %parallel_loop3A_112 = arith.constant 0 : i32
      %parallel_loop3A_113 = arith.cmpi sgt, %parallel_loop3A_103, %parallel_loop3A_112 : i32
      %parallel_loop3A_114 = arith.extui %parallel_loop3A_113 : i1 to i32
      %parallel_loop3A_115 = arith.constant 0 : i32
      %parallel_loop3A_116 = arith.cmpi slt, %parallel_loop3A_103, %parallel_loop3A_115 : i32
      %parallel_loop3A_117 = arith.extui %parallel_loop3A_116 : i1 to i32
      %parallel_loop3A_118 = arith.subi %parallel_loop3A_114, %parallel_loop3A_117 : i32
      %parallel_loop3A_119 = arith.cmpi ne, %parallel_loop3A_111, %parallel_loop3A_118 : i32
      %parallel_loop3A_120 = arith.remsi %parallel_loop3A_102, %parallel_loop3A_103 : i32
      %parallel_loop3A_121 = arith.constant 0 : i32
      %parallel_loop3A_122 = arith.cmpi ne, %parallel_loop3A_120, %parallel_loop3A_121 : i32
      %parallel_loop3A_123 = arith.andi %parallel_loop3A_119, %parallel_loop3A_122 : i1
      %parallel_loop3A_124 = arith.constant 1 : i32
      %parallel_loop3A_125 = arith.subi %parallel_loop3A_104, %parallel_loop3A_124 : i32
      %parallel_loop3A_126 = arith.select %parallel_loop3A_123, %parallel_loop3A_125, %parallel_loop3A_104 : i32
      %parallel_loop3A_127 = arith.constant 9 : i32
      %parallel_loop3A_128 = arith.muli %parallel_loop3A_126, %parallel_loop3A_127 : i32
      %parallel_loop3A_129 = arith.subi %parallel_loop3A_102, %parallel_loop3A_128 : i32
      %parallel_loop3A_130 = arith.constant 64 : i32
      %parallel_loop3A_131 = arith.muli %parallel_loop3A_126, %parallel_loop3A_130 : i32
      %parallel_loop3A_132 = arith.constant 0 : i32
      %parallel_loop3A_133 = arith.addi %parallel_loop3A_131, %parallel_loop3A_132 : i32
      %parallel_loop3A_134 = arith.index_cast %parallel_loop3A_133 : i32 to index
      %parallel_loop3A_135 = tpu.vector_load %arg7[%parallel_loop3A_134] {strides = array<i32>} : memref<1088xf32, #tpu.memory_space<vmem>>, vector<16xf32>,
      %parallel_loop3A_136 = arith.constant 64 : i32
      %parallel_loop3A_137 = arith.muli %parallel_loop3A_129, %parallel_loop3A_136 : i32
      %parallel_loop3A_138 = arith.constant 0 : i32
      %parallel_loop3A_139 = arith.addi %parallel_loop3A_137, %parallel_loop3A_138 : i32
      %parallel_loop3A_140 = arith.index_cast %parallel_loop3A_139 : i32 to index
      %parallel_loop3A_141 = tpu.vector_load %arg8[%parallel_loop3A_140] {strides = array<i32>} : memref<576xf32, #tpu.memory_space<vmem>>, vector<16xf32>,
      %parallel_loop3A_142 = arith.addf %parallel_loop3A_135, %parallel_loop3A_141 : vector<16xf32>
      %parallel_loop3A_143 = arith.constant 65 : i32
      %parallel_loop3A_144 = arith.muli %parallel_loop3A_102, %parallel_loop3A_143 : i32
      %parallel_loop3A_145 = arith.constant 0 : i32
      %parallel_loop3A_146 = arith.addi %parallel_loop3A_144, %parallel_loop3A_145 : i32
      %parallel_loop3A_147 = arith.index_cast %parallel_loop3A_146 : i32 to index
      %parallel_loop3A_148 = tpu.vector_load %arg9[%parallel_loop3A_147] {strides = array<i32>} : memref<9945xf32, #tpu.memory_space<vmem>>, vector<16xf32>,
      tpu.vector_store %arg9[%parallel_loop3A_147], %parallel_loop3A_142 {strides = array<i32>} : memref<9945xf32, #tpu.memory_space<vmem>>, vector<16xf32>,
      %parallel_loop3A_149 = arith.constant 64 : i32
      %parallel_loop3A_150 = arith.muli %parallel_loop3A_126, %parallel_loop3A_149 : i32
      %parallel_loop3A_151 = arith.constant 16 : i32
      %parallel_loop3A_152 = arith.addi %parallel_loop3A_150, %parallel_loop3A_151 : i32
      %parallel_loop3A_153 = arith.index_cast %parallel_loop3A_152 : i32 to index
      %parallel_loop3A_154 = tpu.vector_load %arg7[%parallel_loop3A_153] {strides = array<i32>} : memref<1088xf32, #tpu.memory_space<vmem>>, vector<16xf32>,
      %parallel_loop3A_155 = arith.constant 64 : i32
      %parallel_loop3A_156 = arith.muli %parallel_loop3A_129, %parallel_loop3A_155 : i32
      %parallel_loop3A_157 = arith.constant 16 : i32
      %parallel_loop3A_158 = arith.addi %parallel_loop3A_156, %parallel_loop3A_157 : i32
      %parallel_loop3A_159 = arith.index_cast %parallel_loop3A_158 : i32 to index
      %parallel_loop3A_160 = tpu.vector_load %arg8[%parallel_loop3A_159] {strides = array<i32>} : memref<576xf32, #tpu.memory_space<vmem>>, vector<16xf32>,
      %parallel_loop3A_161 = arith.addf %parallel_loop3A_154, %parallel_loop3A_160 : vector<16xf32>
      %parallel_loop3A_162 = arith.constant 65 : i32
      %parallel_loop3A_163 = arith.muli %parallel_loop3A_102, %parallel_loop3A_162 : i32
      %parallel_loop3A_164 = arith.constant 16 : i32
      %parallel_loop3A_165 = arith.addi %parallel_loop3A_163, %parallel_loop3A_164 : i32
      %parallel_loop3A_166 = arith.index_cast %parallel_loop3A_165 : i32 to index
      %parallel_loop3A_167 = tpu.vector_load %arg9[%parallel_loop3A_166] {strides = array<i32>} : memref<9945xf32, #tpu.memory_space<vmem>>, vector<16xf32>,
      tpu.vector_store %arg9[%parallel_loop3A_166], %parallel_loop3A_161 {strides = array<i32>} : memref<9945xf32, #tpu.memory_space<vmem>>, vector<16xf32>,
      %parallel_loop3A_168 = arith.constant 64 : i32
      %parallel_loop3A_169 = arith.muli %parallel_loop3A_126, %parallel_loop3A_168 : i32
      %parallel_loop3A_170 = arith.constant 32 : i32
      %parallel_loop3A_171 = arith.addi %parallel_loop3A_169, %parallel_loop3A_170 : i32
      %parallel_loop3A_172 = arith.index_cast %parallel_loop3A_171 : i32 to index
      %parallel_loop3A_173 = tpu.vector_load %arg7[%parallel_loop3A_172] {strides = array<i32>} : memref<1088xf32, #tpu.memory_space<vmem>>, vector<16xf32>,
      %parallel_loop3A_174 = arith.constant 64 : i32
      %parallel_loop3A_175 = arith.muli %parallel_loop3A_129, %parallel_loop3A_174 : i32
      %parallel_loop3A_176 = arith.constant 32 : i32
      %parallel_loop3A_177 = arith.addi %parallel_loop3A_175, %parallel_loop3A_176 : i32
      %parallel_loop3A_178 = arith.index_cast %parallel_loop3A_177 : i32 to index
      %parallel_loop3A_179 = tpu.vector_load %arg8[%parallel_loop3A_178] {strides = array<i32>} : memref<576xf32, #tpu.memory_space<vmem>>, vector<16xf32>,
      %parallel_loop3A_180 = arith.addf %parallel_loop3A_173, %parallel_loop3A_179 : vector<16xf32>
      %parallel_loop3A_181 = arith.constant 65 : i32
      %parallel_loop3A_182 = arith.muli %parallel_loop3A_102, %parallel_loop3A_181 : i32
      %parallel_loop3A_183 = arith.constant 32 : i32
      %parallel_loop3A_184 = arith.addi %parallel_loop3A_182, %parallel_loop3A_183 : i32
      %parallel_loop3A_185 = arith.index_cast %parallel_loop3A_184 : i32 to index
      %parallel_loop3A_186 = tpu.vector_load %arg9[%parallel_loop3A_185] {strides = array<i32>} : memref<9945xf32, #tpu.memory_space<vmem>>, vector<16xf32>,
      tpu.vector_store %arg9[%parallel_loop3A_185], %parallel_loop3A_180 {strides = array<i32>} : memref<9945xf32, #tpu.memory_space<vmem>>, vector<16xf32>,
      %parallel_loop3A_187 = arith.constant 64 : i32
      %parallel_loop3A_188 = arith.muli %parallel_loop3A_126, %parallel_loop3A_187 : i32
      %parallel_loop3A_189 = arith.constant 48 : i32
      %parallel_loop3A_190 = arith.addi %parallel_loop3A_188, %parallel_loop3A_189 : i32
      %parallel_loop3A_191 = arith.index_cast %parallel_loop3A_190 : i32 to index
      %parallel_loop3A_192 = tpu.vector_load %arg7[%parallel_loop3A_191] {strides = array<i32>} : memref<1088xf32, #tpu.memory_space<vmem>>, vector<16xf32>,
      %parallel_loop3A_193 = arith.constant 64 : i32
      %parallel_loop3A_194 = arith.muli %parallel_loop3A_129, %parallel_loop3A_193 : i32
      %parallel_loop3A_195 = arith.constant 48 : i32
      %parallel_loop3A_196 = arith.addi %parallel_loop3A_194, %parallel_loop3A_195 : i32
      %parallel_loop3A_197 = arith.index_cast %parallel_loop3A_196 : i32 to index
      %parallel_loop3A_198 = tpu.vector_load %arg8[%parallel_loop3A_197] {strides = array<i32>} : memref<576xf32, #tpu.memory_space<vmem>>, vector<16xf32>,
      %parallel_loop3A_199 = arith.addf %parallel_loop3A_192, %parallel_loop3A_198 : vector<16xf32>
      %parallel_loop3A_200 = arith.constant 65 : i32
      %parallel_loop3A_201 = arith.muli %parallel_loop3A_102, %parallel_loop3A_200 : i32
      %parallel_loop3A_202 = arith.constant 48 : i32
      %parallel_loop3A_203 = arith.addi %parallel_loop3A_201, %parallel_loop3A_202 : i32
      %parallel_loop3A_204 = arith.index_cast %parallel_loop3A_203 : i32 to index
      %parallel_loop3A_205 = tpu.vector_load %arg9[%parallel_loop3A_204] {strides = array<i32>} : memref<9945xf32, #tpu.memory_space<vmem>>, vector<16xf32>,
      tpu.vector_store %arg9[%parallel_loop3A_204], %parallel_loop3A_199 {strides = array<i32>} : memref<9945xf32, #tpu.memory_space<vmem>>, vector<16xf32>,
    } {sc.loop_unroll_factor = 1 : i64, sc.parallel_access}
    %add3A_5 = arith.constant 0 : i32
    %add3A_6 = arith.addi %mul3A_2, %add3A_5 : i32
    %jit3A = arith.constant 8 : i32
    %div3A = arith.divsi %add3A_6, %jit3A : i32
    %sign3A = arith.constant 0 : i32
    %sign3A_7 = arith.cmpi sgt, %add3A_6, %sign3A : i32
    %sign3A_8 = arith.extui %sign3A_7 : i1 to i32
    %sign3A_9 = arith.constant 0 : i32
    %sign3A_10 = arith.cmpi slt, %add3A_6, %sign3A_9 : i32
    %sign3A_11 = arith.extui %sign3A_10 : i1 to i32
    %sign3A_12 = arith.subi %sign3A_8, %sign3A_11 : i32
    %sign3A_13 = arith.constant 0 : i32
    %sign3A_14 = arith.cmpi sgt, %jit3A, %sign3A_13 : i32
    %sign3A_15 = arith.extui %sign3A_14 : i1 to i32
    %sign3A_16 = arith.constant 0 : i32
    %sign3A_17 = arith.cmpi slt, %jit3A, %sign3A_16 : i32
    %sign3A_18 = arith.extui %sign3A_17 : i1 to i32
    %sign3A_19 = arith.subi %sign3A_15, %sign3A_18 : i32
    %ne3A = arith.cmpi ne, %sign3A_12, %sign3A_19 : i32
    %rem3A = arith.remsi %add3A_6, %jit3A : i32
    %ne3A_20 = arith.constant 0 : i32
    %ne3A_21 = arith.cmpi ne, %rem3A, %ne3A_20 : i32
    %and3A = arith.andi %ne3A, %ne3A_21 : i1
    %sub3A = arith.constant 1 : i32
    %sub3A_22 = arith.subi %div3A, %sub3A : i32
    %select_n3A = arith.select %and3A, %sub3A_22, %div3A : i32
    %mul3A_23 = arith.constant 4096 : i32
    %mul3A_24 = arith.muli %select_n3A, %mul3A_23 : i32
    %dma_start3A = tpu.memref_slice %arg2[%mul3A_24] : memref<819200xi32, #tpu.memory_space<hbm>> -> memref<4096xi32, #tpu.memory_space<hbm>>
    %dma_start3A_25 = tpu.memref_slice %arg2[%mul3A_24] : memref<819200xi32, #tpu.memory_space<hbm>> -> memref<4096xi32, #tpu.memory_space<hbm>>
    tpu.enqueue_dma source(%dma_start3A_25 : memref<4096xi32, #tpu.memory_space<hbm>>) target(%arg10 : memref<4096xi32, #tpu.memory_space<vmem>>) target_semaphore(%arg18 : memref<!tpu.dma_semaphore, #tpu.memory_space<semaphore_mem>>)
    %dma_start3A_26 = tpu.memref_slice %arg3[%mul3A_24] : memref<819200xi32, #tpu.memory_space<hbm>> -> memref<4096xi32, #tpu.memory_space<hbm>>
    %dma_start3A_27 = tpu.memref_slice %arg3[%mul3A_24] : memref<819200xi32, #tpu.memory_space<hbm>> -> memref<4096xi32, #tpu.memory_space<hbm>>
    tpu.enqueue_dma source(%dma_start3A_27 : memref<4096xi32, #tpu.memory_space<hbm>>) target(%arg12 : memref<4096xi32, #tpu.memory_space<vmem>>) target_semaphore(%arg18 : memref<!tpu.dma_semaphore, #tpu.memory_space<semaphore_mem>>)
    %scan3A = arith.constant 0 : i32
    %scan3A_28 = arith.constant 0 : i32
    %scan3A_29 = arith.constant 25 : i32
    %scan3A_30 = arith.addi %scan3A_28, %scan3A_29 : i32
    %scan3A_31 = arith.constant 1 : i32
    scf.for %scan3A_102 = %scan3A_28 to %scan3A_30 step %scan3A_31  : i32 {
      %mul3A_103 = arith.constant 2 : i32
      %mul3A_104 = arith.muli %scan3A_102, %mul3A_103 : i32
      %add3A_105 = arith.constant 0 : i32
      %add3A_106 = arith.addi %mul3A_104, %add3A_105 : i32
      %add3A_107 = arith.constant 1 : i32
      %add3A_108 = arith.addi %add3A_106, %add3A_107 : i32
      %add3A_109 = arith.addi %mul3A_2, %add3A_108 : i32
      %jit3A_110 = arith.constant 8 : i32
      %div3A_111 = arith.divsi %add3A_109, %jit3A_110 : i32
      %sign3A_112 = arith.constant 0 : i32
      %sign3A_113 = arith.cmpi sgt, %add3A_109, %sign3A_112 : i32
      %sign3A_114 = arith.extui %sign3A_113 : i1 to i32
      %sign3A_115 = arith.constant 0 : i32
      %sign3A_116 = arith.cmpi slt, %add3A_109, %sign3A_115 : i32
      %sign3A_117 = arith.extui %sign3A_116 : i1 to i32
      %sign3A_118 = arith.subi %sign3A_114, %sign3A_117 : i32
      %sign3A_119 = arith.constant 0 : i32
      %sign3A_120 = arith.cmpi sgt, %jit3A_110, %sign3A_119 : i32
      %sign3A_121 = arith.extui %sign3A_120 : i1 to i32
      %sign3A_122 = arith.constant 0 : i32
      %sign3A_123 = arith.cmpi slt, %jit3A_110, %sign3A_122 : i32
      %sign3A_124 = arith.extui %sign3A_123 : i1 to i32
      %sign3A_125 = arith.subi %sign3A_121, %sign3A_124 : i32
      %ne3A_126 = arith.cmpi ne, %sign3A_118, %sign3A_125 : i32
      %rem3A_127 = arith.remsi %add3A_109, %jit3A_110 : i32
      %ne3A_128 = arith.constant 0 : i32
      %ne3A_129 = arith.cmpi ne, %rem3A_127, %ne3A_128 : i32
      %and3A_130 = arith.andi %ne3A_126, %ne3A_129 : i1
      %sub3A_131 = arith.constant 1 : i32
      %sub3A_132 = arith.subi %div3A_111, %sub3A_131 : i32
      %select_n3A_133 = arith.select %and3A_130, %sub3A_132, %div3A_111 : i32
      %mul3A_134 = arith.constant 4096 : i32
      %mul3A_135 = arith.muli %select_n3A_133, %mul3A_134 : i32
      %dma_start3A_136 = tpu.memref_slice %arg2[%mul3A_135] : memref<819200xi32, #tpu.memory_space<hbm>> -> memref<4096xi32, #tpu.memory_space<hbm>>
      %dma_start3A_137 = tpu.memref_slice %arg2[%mul3A_135] : memref<819200xi32, #tpu.memory_space<hbm>> -> memref<4096xi32, #tpu.memory_space<hbm>>
      tpu.enqueue_dma source(%dma_start3A_137 : memref<4096xi32, #tpu.memory_space<hbm>>) target(%arg11 : memref<4096xi32, #tpu.memory_space<vmem>>) target_semaphore(%arg19 : memref<!tpu.dma_semaphore, #tpu.memory_space<semaphore_mem>>)
      %dma_start3A_138 = tpu.memref_slice %arg3[%mul3A_135] : memref<819200xi32, #tpu.memory_space<hbm>> -> memref<4096xi32, #tpu.memory_space<hbm>>
      %dma_start3A_139 = tpu.memref_slice %arg3[%mul3A_135] : memref<819200xi32, #tpu.memory_space<hbm>> -> memref<4096xi32, #tpu.memory_space<hbm>>
      tpu.enqueue_dma source(%dma_start3A_139 : memref<4096xi32, #tpu.memory_space<hbm>>) target(%arg13 : memref<4096xi32, #tpu.memory_space<vmem>>) target_semaphore(%arg19 : memref<!tpu.dma_semaphore, #tpu.memory_space<semaphore_mem>>)
      %add3A_140 = arith.addi %mul3A_2, %add3A_106 : i32
      %jit3A_141 = arith.constant 8 : i32
      %div3A_142 = arith.divsi %add3A_140, %jit3A_141 : i32
      %sign3A_143 = arith.constant 0 : i32
      %sign3A_144 = arith.cmpi sgt, %add3A_140, %sign3A_143 : i32
      %sign3A_145 = arith.extui %sign3A_144 : i1 to i32
      %sign3A_146 = arith.constant 0 : i32
      %sign3A_147 = arith.cmpi slt, %add3A_140, %sign3A_146 : i32
      %sign3A_148 = arith.extui %sign3A_147 : i1 to i32
      %sign3A_149 = arith.subi %sign3A_145, %sign3A_148 : i32
      %sign3A_150 = arith.constant 0 : i32
      %sign3A_151 = arith.cmpi sgt, %jit3A_141, %sign3A_150 : i32
      %sign3A_152 = arith.extui %sign3A_151 : i1 to i32
      %sign3A_153 = arith.constant 0 : i32
      %sign3A_154 = arith.cmpi slt, %jit3A_141, %sign3A_153 : i32
      %sign3A_155 = arith.extui %sign3A_154 : i1 to i32
      %sign3A_156 = arith.subi %sign3A_152, %sign3A_155 : i32
      %ne3A_157 = arith.cmpi ne, %sign3A_149, %sign3A_156 : i32
      %rem3A_158 = arith.remsi %add3A_140, %jit3A_141 : i32
      %ne3A_159 = arith.constant 0 : i32
      %ne3A_160 = arith.cmpi ne, %rem3A_158, %ne3A_159 : i32
      %and3A_161 = arith.andi %ne3A_157, %ne3A_160 : i1
      %sub3A_162 = arith.constant 1 : i32
      %sub3A_163 = arith.subi %div3A_142, %sub3A_162 : i32
      %select_n3A_164 = arith.select %and3A_161, %sub3A_163, %div3A_142 : i32
      %mul3A_165 = arith.constant 4096 : i32
      %mul3A_166 = arith.muli %select_n3A_164, %mul3A_165 : i32
      %dma_wait3A_167 = tpu.memref_slice %arg2[%mul3A_166] : memref<819200xi32, #tpu.memory_space<hbm>> -> memref<4096xi32, #tpu.memory_space<hbm>>
      %dma_wait3A_168 = tpu.memref_slice %arg2[%mul3A_166] : memref<819200xi32, #tpu.memory_space<hbm>> -> memref<4096xi32, #tpu.memory_space<hbm>>
      tpu.wait_dma2 semaphore(%arg18 : memref<!tpu.dma_semaphore, #tpu.memory_space<semaphore_mem>>) src(%dma_wait3A_168 : memref<4096xi32, #tpu.memory_space<hbm>>) dst(%arg10 : memref<4096xi32, #tpu.memory_space<vmem>>)
      %dma_wait3A_169 = tpu.memref_slice %arg3[%mul3A_166] : memref<819200xi32, #tpu.memory_space<hbm>> -> memref<4096xi32, #tpu.memory_space<hbm>>
      %dma_wait3A_170 = tpu.memref_slice %arg3[%mul3A_166] : memref<819200xi32, #tpu.memory_space<hbm>> -> memref<4096xi32, #tpu.memory_space<hbm>>
      tpu.wait_dma2 semaphore(%arg18 : memref<!tpu.dma_semaphore, #tpu.memory_space<semaphore_mem>>) src(%dma_wait3A_170 : memref<4096xi32, #tpu.memory_space<hbm>>) dst(%arg12 : memref<4096xi32, #tpu.memory_space<vmem>>)
      %gt3A = arith.constant 0 : i32
      %gt3A_171 = arith.cmpi sgt, %scan3A_102, %gt3A : i32
      %convert_element_type3A = arith.extui %gt3A_171 : i1 to i32
      %cond3A = arith.constant 0 : i32
      %cond3A_172 = arith.cmpi ne, %convert_element_type3A, %cond3A : i32
      scf.if %cond3A_172 {
        %sub3A_324 = arith.constant 2 : i32
        %sub3A_325 = arith.subi %add3A_106, %sub3A_324 : i32
        %add3A_326 = arith.addi %mul3A_2, %sub3A_325 : i32
        %jit3A_327 = arith.constant 8 : i32
        %div3A_328 = arith.divsi %add3A_326, %jit3A_327 : i32
        %sign3A_329 = arith.constant 0 : i32
        %sign3A_330 = arith.cmpi sgt, %add3A_326, %sign3A_329 : i32
        %sign3A_331 = arith.extui %sign3A_330 : i1 to i32
        %sign3A_332 = arith.constant 0 : i32
        %sign3A_333 = arith.cmpi slt, %add3A_326, %sign3A_332 : i32
        %sign3A_334 = arith.extui %sign3A_333 : i1 to i32
        %sign3A_335 = arith.subi %sign3A_331, %sign3A_334 : i32
        %sign3A_336 = arith.constant 0 : i32
        %sign3A_337 = arith.cmpi sgt, %jit3A_327, %sign3A_336 : i32
        %sign3A_338 = arith.extui %sign3A_337 : i1 to i32
        %sign3A_339 = arith.constant 0 : i32
        %sign3A_340 = arith.cmpi slt, %jit3A_327, %sign3A_339 : i32
        %sign3A_341 = arith.extui %sign3A_340 : i1 to i32
        %sign3A_342 = arith.subi %sign3A_338, %sign3A_341 : i32
        %ne3A_343 = arith.cmpi ne, %sign3A_335, %sign3A_342 : i32
        %rem3A_344 = arith.remsi %add3A_326, %jit3A_327 : i32
        %ne3A_345 = arith.constant 0 : i32
        %ne3A_346 = arith.cmpi ne, %rem3A_344, %ne3A_345 : i32
        %and3A_347 = arith.andi %ne3A_343, %ne3A_346 : i1
        %sub3A_348 = arith.constant 1 : i32
        %sub3A_349 = arith.subi %div3A_328, %sub3A_348 : i32
        %select_n3A_350 = arith.select %and3A_347, %sub3A_349, %div3A_328 : i32
        %mul3A_351 = arith.constant 8 : i32
        %mul3A_352 = arith.muli %select_n3A_350, %mul3A_351 : i32
        %sub3A_353 = arith.subi %add3A_326, %mul3A_352 : i32
        %mul3A_354 = arith.constant 8 : i32
        %mul3A_355 = arith.muli %sub3A_353, %mul3A_354 : i32
        %dma_wait3A_356 = arith.constant 0 : i32
        %dma_wait3A_357 = tpu.memref_slice %arg6[%select_n3A_350, %mul3A_355, %dma_wait3A_356] : memref<200x64x4096xf32, #tpu.memory_space<hbm>> -> memref<1x8x4096xf32, #tpu.memory_space<hbm>>
        %dma_wait3A_358 = arith.constant 0 : i32
        %dma_wait3A_359 = tpu.memref_slice %arg6[%select_n3A_350, %mul3A_355, %dma_wait3A_358] : memref<200x64x4096xf32, #tpu.memory_space<hbm>> -> memref<1x8x4096xf32, #tpu.memory_space<hbm>>
        tpu.wait_dma2 semaphore(%arg16 : memref<!tpu.dma_semaphore, #tpu.memory_space<semaphore_mem>>) src(%arg14 : memref<1x8x4096xf32, #tpu.memory_space<vmem>>) dst(%dma_wait3A_359 : memref<1x8x4096xf32, #tpu.memory_space<hbm>>)
      } else {
      }
      %add3A_173 = arith.addi %mul3A_2, %add3A_106 : i32
      %jit3A_174 = arith.constant 8 : i32
      %eq3A = arith.constant 0 : i32
      %eq3A_175 = arith.cmpi eq, %jit3A_174, %eq3A : i32
      %jit3A_176 = arith.constant 1 : i32
      %select_n3A_177 = arith.select %eq3A_175, %jit3A_176, %jit3A_174 : i32
      %rem3A_178 = arith.remsi %add3A_173, %select_n3A_177 : i32
      %ne3A_179 = arith.constant 0 : i32
      %ne3A_180 = arith.cmpi ne, %rem3A_178, %ne3A_179 : i32
      %lt3A = arith.constant 0 : i32
      %lt3A_181 = arith.cmpi slt, %rem3A_178, %lt3A : i32
      %lt3A_182 = arith.constant 0 : i32
      %lt3A_183 = arith.cmpi slt, %select_n3A_177, %lt3A_182 : i32
      %ne3A_184 = arith.xori %lt3A_181, %lt3A_183 : i1
      %and3A_185 = arith.andi %ne3A_184, %ne3A_180 : i1
      %add3A_186 = arith.addi %rem3A_178, %select_n3A_177 : i32
      %select_n3A_187 = arith.select %and3A_185, %add3A_186, %rem3A_178 : i32
      %parallel_loop3A_188 = arith.constant 0 : i32
      %parallel_loop3A_189 = arith.constant 256 : i32
      %parallel_loop3A_190 = arith.constant 1 : i32
      scf.for %parallel_loop3A_324 = %parallel_loop3A_188 to %parallel_loop3A_189 step %parallel_loop3A_190  : i32 {
        %parallel_loop3A_325 = arith.constant 16 : i32
        %parallel_loop3A_326 = arith.muli %parallel_loop3A_324, %parallel_loop3A_325 : i32
        %parallel_loop3A_327 = arith.index_cast %parallel_loop3A_326 : i32 to index
        %parallel_loop3A_328 = tpu.vector_load %arg10[%parallel_loop3A_327] {strides = array<i32>} : memref<4096xi32, #tpu.memory_space<vmem>>, vector<16xi32>,
        %parallel_loop3A_329 = arith.constant 16 : i32
        %parallel_loop3A_330 = arith.muli %parallel_loop3A_324, %parallel_loop3A_329 : i32
        %parallel_loop3A_331 = arith.index_cast %parallel_loop3A_330 : i32 to index
        %parallel_loop3A_332 = tpu.vector_load %arg12[%parallel_loop3A_331] {strides = array<i32>} : memref<4096xi32, #tpu.memory_space<vmem>>, vector<16xi32>,
        %parallel_loop3A_333 = arith.constant 9 : i32
        %parallel_loop3A_334 = vector.broadcast %parallel_loop3A_333 : i32 to vector<16xi32>
        %parallel_loop3A_335 = arith.muli %parallel_loop3A_328, %parallel_loop3A_334 : vector<16xi32>
        %parallel_loop3A_336 = arith.addi %parallel_loop3A_335, %parallel_loop3A_332 : vector<16xi32>
        %parallel_loop3A_337 = arith.constant 64 : i32
        %parallel_loop3A_338 = vector.broadcast %parallel_loop3A_337 : i32 to vector<16xi32>
        %parallel_loop3A_339 = arith.muli %parallel_loop3A_336, %parallel_loop3A_338 : vector<16xi32>
        %parallel_loop3A_340 = arith.addi %parallel_loop3A_339, %parallel_loop3A_336 : vector<16xi32>
        %parallel_loop3A_341 = arith.constant 8 : i32
        %parallel_loop3A_342 = arith.muli %select_n3A_187, %parallel_loop3A_341 : i32
        %parallel_loop3A_343 = vector.broadcast %parallel_loop3A_342 : i32 to vector<16xi32>
        %parallel_loop3A_344 = arith.addi %parallel_loop3A_340, %parallel_loop3A_343 : vector<16xi32>
        %parallel_loop3A_345 = arith.constant 16 : i32
        %parallel_loop3A_346 = arith.muli %parallel_loop3A_324, %parallel_loop3A_345 : i32
        %parallel_loop3A_347 = arith.constant 0 : i32
        %parallel_loop3A_348 = vector.broadcast %parallel_loop3A_347 : i32 to vector<16xi32>
        %parallel_loop3A_349 = arith.addi %parallel_loop3A_344, %parallel_loop3A_348 : vector<16xi32>
        %parallel_loop3A_350 = tpu.vector_load_idx %arg9[%parallel_loop3A_349] : memref<9945xf32, #tpu.memory_space<vmem>>[vector<16xi32>], vector<16xf32>,
        %parallel_loop3A_351 = arith.constant 0 : i32
        %parallel_loop3A_352 = arith.constant 0 : i32
        %parallel_loop3A_353 = arith.index_cast %parallel_loop3A_351 : i32 to index
        %parallel_loop3A_354 = arith.index_cast %parallel_loop3A_352 : i32 to index
        %parallel_loop3A_355 = arith.index_cast %parallel_loop3A_346 : i32 to index
        %parallel_loop3A_356 = tpu.vector_load %arg14[%parallel_loop3A_353, %parallel_loop3A_354, %parallel_loop3A_355] {strides = array<i32>} : memref<1x8x4096xf32, #tpu.memory_space<vmem>>, vector<16xf32>,
        tpu.vector_store %arg14[%parallel_loop3A_353, %parallel_loop3A_354, %parallel_loop3A_355], %parallel_loop3A_350 {strides = array<i32>} : memref<1x8x4096xf32, #tpu.memory_space<vmem>>, vector<16xf32>,
        %parallel_loop3A_357 = arith.constant 1 : i32
        %parallel_loop3A_358 = vector.broadcast %parallel_loop3A_357 : i32 to vector<16xi32>
        %parallel_loop3A_359 = arith.addi %parallel_loop3A_344, %parallel_loop3A_358 : vector<16xi32>
        %parallel_loop3A_360 = tpu.vector_load_idx %arg9[%parallel_loop3A_359] : memref<9945xf32, #tpu.memory_space<vmem>>[vector<16xi32>], vector<16xf32>,
        %parallel_loop3A_361 = arith.constant 0 : i32
        %parallel_loop3A_362 = arith.constant 1 : i32
        %parallel_loop3A_363 = arith.index_cast %parallel_loop3A_361 : i32 to index
        %parallel_loop3A_364 = arith.index_cast %parallel_loop3A_362 : i32 to index
        %parallel_loop3A_365 = arith.index_cast %parallel_loop3A_346 : i32 to index
        %parallel_loop3A_366 = tpu.vector_load %arg14[%parallel_loop3A_363, %parallel_loop3A_364, %parallel_loop3A_365] {strides = array<i32>} : memref<1x8x4096xf32, #tpu.memory_space<vmem>>, vector<16xf32>,
        tpu.vector_store %arg14[%parallel_loop3A_363, %parallel_loop3A_364, %parallel_loop3A_365], %parallel_loop3A_360 {strides = array<i32>} : memref<1x8x4096xf32, #tpu.memory_space<vmem>>, vector<16xf32>,
        %parallel_loop3A_367 = arith.constant 2 : i32
        %parallel_loop3A_368 = vector.broadcast %parallel_loop3A_367 : i32 to vector<16xi32>
        %parallel_loop3A_369 = arith.addi %parallel_loop3A_344, %parallel_loop3A_368 : vector<16xi32>
        %parallel_loop3A_370 = tpu.vector_load_idx %arg9[%parallel_loop3A_369] : memref<9945xf32, #tpu.memory_space<vmem>>[vector<16xi32>], vector<16xf32>,
        %parallel_loop3A_371 = arith.constant 0 : i32
        %parallel_loop3A_372 = arith.constant 2 : i32
        %parallel_loop3A_373 = arith.index_cast %parallel_loop3A_371 : i32 to index
        %parallel_loop3A_374 = arith.index_cast %parallel_loop3A_372 : i32 to index
        %parallel_loop3A_375 = arith.index_cast %parallel_loop3A_346 : i32 to index
        %parallel_loop3A_376 = tpu.vector_load %arg14[%parallel_loop3A_373, %parallel_loop3A_374, %parallel_loop3A_375] {strides = array<i32>} : memref<1x8x4096xf32, #tpu.memory_space<vmem>>, vector<16xf32>,
        tpu.vector_store %arg14[%parallel_loop3A_373, %parallel_loop3A_374, %parallel_loop3A_375], %parallel_loop3A_370 {strides = array<i32>} : memref<1x8x4096xf32, #tpu.memory_space<vmem>>, vector<16xf32>,
        %parallel_loop3A_377 = arith.constant 3 : i32
        %parallel_loop3A_378 = vector.broadcast %parallel_loop3A_377 : i32 to vector<16xi32>
        %parallel_loop3A_379 = arith.addi %parallel_loop3A_344, %parallel_loop3A_378 : vector<16xi32>
        %parallel_loop3A_380 = tpu.vector_load_idx %arg9[%parallel_loop3A_379] : memref<9945xf32, #tpu.memory_space<vmem>>[vector<16xi32>], vector<16xf32>,
        %parallel_loop3A_381 = arith.constant 0 : i32
        %parallel_loop3A_382 = arith.constant 3 : i32
        %parallel_loop3A_383 = arith.index_cast %parallel_loop3A_381 : i32 to index
        %parallel_loop3A_384 = arith.index_cast %parallel_loop3A_382 : i32 to index
        %parallel_loop3A_385 = arith.index_cast %parallel_loop3A_346 : i32 to index
        %parallel_loop3A_386 = tpu.vector_load %arg14[%parallel_loop3A_383, %parallel_loop3A_384, %parallel_loop3A_385] {strides = array<i32>} : memref<1x8x4096xf32, #tpu.memory_space<vmem>>, vector<16xf32>,
        tpu.vector_store %arg14[%parallel_loop3A_383, %parallel_loop3A_384, %parallel_loop3A_385], %parallel_loop3A_380 {strides = array<i32>} : memref<1x8x4096xf32, #tpu.memory_space<vmem>>, vector<16xf32>,
        %parallel_loop3A_387 = arith.constant 4 : i32
        %parallel_loop3A_388 = vector.broadcast %parallel_loop3A_387 : i32 to vector<16xi32>
        %parallel_loop3A_389 = arith.addi %parallel_loop3A_344, %parallel_loop3A_388 : vector<16xi32>
        %parallel_loop3A_390 = tpu.vector_load_idx %arg9[%parallel_loop3A_389] : memref<9945xf32, #tpu.memory_space<vmem>>[vector<16xi32>], vector<16xf32>,
        %parallel_loop3A_391 = arith.constant 0 : i32
        %parallel_loop3A_392 = arith.constant 4 : i32
        %parallel_loop3A_393 = arith.index_cast %parallel_loop3A_391 : i32 to index
        %parallel_loop3A_394 = arith.index_cast %parallel_loop3A_392 : i32 to index
        %parallel_loop3A_395 = arith.index_cast %parallel_loop3A_346 : i32 to index
        %parallel_loop3A_396 = tpu.vector_load %arg14[%parallel_loop3A_393, %parallel_loop3A_394, %parallel_loop3A_395] {strides = array<i32>} : memref<1x8x4096xf32, #tpu.memory_space<vmem>>, vector<16xf32>,
        tpu.vector_store %arg14[%parallel_loop3A_393, %parallel_loop3A_394, %parallel_loop3A_395], %parallel_loop3A_390 {strides = array<i32>} : memref<1x8x4096xf32, #tpu.memory_space<vmem>>, vector<16xf32>,
        %parallel_loop3A_397 = arith.constant 5 : i32
        %parallel_loop3A_398 = vector.broadcast %parallel_loop3A_397 : i32 to vector<16xi32>
        %parallel_loop3A_399 = arith.addi %parallel_loop3A_344, %parallel_loop3A_398 : vector<16xi32>
        %parallel_loop3A_400 = tpu.vector_load_idx %arg9[%parallel_loop3A_399] : memref<9945xf32, #tpu.memory_space<vmem>>[vector<16xi32>], vector<16xf32>,
        %parallel_loop3A_401 = arith.constant 0 : i32
        %parallel_loop3A_402 = arith.constant 5 : i32
        %parallel_loop3A_403 = arith.index_cast %parallel_loop3A_401 : i32 to index
        %parallel_loop3A_404 = arith.index_cast %parallel_loop3A_402 : i32 to index
        %parallel_loop3A_405 = arith.index_cast %parallel_loop3A_346 : i32 to index
        %parallel_loop3A_406 = tpu.vector_load %arg14[%parallel_loop3A_403, %parallel_loop3A_404, %parallel_loop3A_405] {strides = array<i32>} : memref<1x8x4096xf32, #tpu.memory_space<vmem>>, vector<16xf32>,
        tpu.vector_store %arg14[%parallel_loop3A_403, %parallel_loop3A_404, %parallel_loop3A_405], %parallel_loop3A_400 {strides = array<i32>} : memref<1x8x4096xf32, #tpu.memory_space<vmem>>, vector<16xf32>,
        %parallel_loop3A_407 = arith.constant 6 : i32
        %parallel_loop3A_408 = vector.broadcast %parallel_loop3A_407 : i32 to vector<16xi32>
        %parallel_loop3A_409 = arith.addi %parallel_loop3A_344, %parallel_loop3A_408 : vector<16xi32>
        %parallel_loop3A_410 = tpu.vector_load_idx %arg9[%parallel_loop3A_409] : memref<9945xf32, #tpu.memory_space<vmem>>[vector<16xi32>], vector<16xf32>,
        %parallel_loop3A_411 = arith.constant 0 : i32
        %parallel_loop3A_412 = arith.constant 6 : i32
        %parallel_loop3A_413 = arith.index_cast %parallel_loop3A_411 : i32 to index
        %parallel_loop3A_414 = arith.index_cast %parallel_loop3A_412 : i32 to index
        %parallel_loop3A_415 = arith.index_cast %parallel_loop3A_346 : i32 to index
        %parallel_loop3A_416 = tpu.vector_load %arg14[%parallel_loop3A_413, %parallel_loop3A_414, %parallel_loop3A_415] {strides = array<i32>} : memref<1x8x4096xf32, #tpu.memory_space<vmem>>, vector<16xf32>,
        tpu.vector_store %arg14[%parallel_loop3A_413, %parallel_loop3A_414, %parallel_loop3A_415], %parallel_loop3A_410 {strides = array<i32>} : memref<1x8x4096xf32, #tpu.memory_space<vmem>>, vector<16xf32>,
        %parallel_loop3A_417 = arith.constant 7 : i32
        %parallel_loop3A_418 = vector.broadcast %parallel_loop3A_417 : i32 to vector<16xi32>
        %parallel_loop3A_419 = arith.addi %parallel_loop3A_344, %parallel_loop3A_418 : vector<16xi32>
        %parallel_loop3A_420 = tpu.vector_load_idx %arg9[%parallel_loop3A_419] : memref<9945xf32, #tpu.memory_space<vmem>>[vector<16xi32>], vector<16xf32>,
        %parallel_loop3A_421 = arith.constant 0 : i32
        %parallel_loop3A_422 = arith.constant 7 : i32
        %parallel_loop3A_423 = arith.index_cast %parallel_loop3A_421 : i32 to index
        %parallel_loop3A_424 = arith.index_cast %parallel_loop3A_422 : i32 to index
        %parallel_loop3A_425 = arith.index_cast %parallel_loop3A_346 : i32 to index
        %parallel_loop3A_426 = tpu.vector_load %arg14[%parallel_loop3A_423, %parallel_loop3A_424, %parallel_loop3A_425] {strides = array<i32>} : memref<1x8x4096xf32, #tpu.memory_space<vmem>>, vector<16xf32>,
        tpu.vector_store %arg14[%parallel_loop3A_423, %parallel_loop3A_424, %parallel_loop3A_425], %parallel_loop3A_420 {strides = array<i32>} : memref<1x8x4096xf32, #tpu.memory_space<vmem>>, vector<16xf32>,
      } {sc.loop_unroll_factor = 1 : i64, sc.parallel_access}
      %add3A_191 = arith.addi %mul3A_2, %add3A_106 : i32
      %jit3A_192 = arith.constant 8 : i32
      %div3A_193 = arith.divsi %add3A_191, %jit3A_192 : i32
      %sign3A_194 = arith.constant 0 : i32
      %sign3A_195 = arith.cmpi sgt, %add3A_191, %sign3A_194 : i32
      %sign3A_196 = arith.extui %sign3A_195 : i1 to i32
      %sign3A_197 = arith.constant 0 : i32
      %sign3A_198 = arith.cmpi slt, %add3A_191, %sign3A_197 : i32
      %sign3A_199 = arith.extui %sign3A_198 : i1 to i32
      %sign3A_200 = arith.subi %sign3A_196, %sign3A_199 : i32
      %sign3A_201 = arith.constant 0 : i32
      %sign3A_202 = arith.cmpi sgt, %jit3A_192, %sign3A_201 : i32
      %sign3A_203 = arith.extui %sign3A_202 : i1 to i32
      %sign3A_204 = arith.constant 0 : i32
      %sign3A_205 = arith.cmpi slt, %jit3A_192, %sign3A_204 : i32
      %sign3A_206 = arith.extui %sign3A_205 : i1 to i32
      %sign3A_207 = arith.subi %sign3A_203, %sign3A_206 : i32
      %ne3A_208 = arith.cmpi ne, %sign3A_200, %sign3A_207 : i32
      %rem3A_209 = arith.remsi %add3A_191, %jit3A_192 : i32
      %ne3A_210 = arith.constant 0 : i32
      %ne3A_211 = arith.cmpi ne, %rem3A_209, %ne3A_210 : i32
      %and3A_212 = arith.andi %ne3A_208, %ne3A_211 : i1
      %sub3A_213 = arith.constant 1 : i32
      %sub3A_214 = arith.subi %div3A_193, %sub3A_213 : i32
      %select_n3A_215 = arith.select %and3A_212, %sub3A_214, %div3A_193 : i32
      %mul3A_216 = arith.constant 8 : i32
      %mul3A_217 = arith.muli %select_n3A_215, %mul3A_216 : i32
      %sub3A_218 = arith.subi %add3A_191, %mul3A_217 : i32
      %mul3A_219 = arith.constant 8 : i32
      %mul3A_220 = arith.muli %sub3A_218, %mul3A_219 : i32
      %dma_start3A_221 = arith.constant 0 : i32
      %dma_start3A_222 = tpu.memref_slice %arg6[%select_n3A_215, %mul3A_220, %dma_start3A_221] : memref<200x64x4096xf32, #tpu.memory_space<hbm>> -> memref<1x8x4096xf32, #tpu.memory_space<hbm>>
      %dma_start3A_223 = arith.constant 0 : i32
      %dma_start3A_224 = tpu.memref_slice %arg6[%select_n3A_215, %mul3A_220, %dma_start3A_223] : memref<200x64x4096xf32, #tpu.memory_space<hbm>> -> memref<1x8x4096xf32, #tpu.memory_space<hbm>>
      tpu.enqueue_dma source(%arg14 : memref<1x8x4096xf32, #tpu.memory_space<vmem>>) target(%dma_start3A_224 : memref<1x8x4096xf32, #tpu.memory_space<hbm>>) target_semaphore(%arg16 : memref<!tpu.dma_semaphore, #tpu.memory_space<semaphore_mem>>)
      %mul3A_225 = arith.constant 2 : i32
      %mul3A_226 = arith.muli %scan3A_102, %mul3A_225 : i32
      %add3A_227 = arith.constant 1 : i32
      %add3A_228 = arith.addi %mul3A_226, %add3A_227 : i32
      %lt3A_229 = arith.constant 24 : i32
      %lt3A_230 = arith.cmpi slt, %scan3A_102, %lt3A_229 : i32
      %convert_element_type3A_231 = arith.extui %lt3A_230 : i1 to i32
      %cond3A_232 = arith.constant 0 : i32
      %cond3A_233 = arith.cmpi ne, %convert_element_type3A_231, %cond3A_232 : i32
      scf.if %cond3A_233 {
        %add3A_324 = arith.constant 1 : i32
        %add3A_325 = arith.addi %add3A_228, %add3A_324 : i32
        %add3A_326 = arith.addi %mul3A_2, %add3A_325 : i32
        %jit3A_327 = arith.constant 8 : i32
        %div3A_328 = arith.divsi %add3A_326, %jit3A_327 : i32
        %sign3A_329 = arith.constant 0 : i32
        %sign3A_330 = arith.cmpi sgt, %add3A_326, %sign3A_329 : i32
        %sign3A_331 = arith.extui %sign3A_330 : i1 to i32
        %sign3A_332 = arith.constant 0 : i32
        %sign3A_333 = arith.cmpi slt, %add3A_326, %sign3A_332 : i32
        %sign3A_334 = arith.extui %sign3A_333 : i1 to i32
        %sign3A_335 = arith.subi %sign3A_331, %sign3A_334 : i32
        %sign3A_336 = arith.constant 0 : i32
        %sign3A_337 = arith.cmpi sgt, %jit3A_327, %sign3A_336 : i32
        %sign3A_338 = arith.extui %sign3A_337 : i1 to i32
        %sign3A_339 = arith.constant 0 : i32
        %sign3A_340 = arith.cmpi slt, %jit3A_327, %sign3A_339 : i32
        %sign3A_341 = arith.extui %sign3A_340 : i1 to i32
        %sign3A_342 = arith.subi %sign3A_338, %sign3A_341 : i32
        %ne3A_343 = arith.cmpi ne, %sign3A_335, %sign3A_342 : i32
        %rem3A_344 = arith.remsi %add3A_326, %jit3A_327 : i32
        %ne3A_345 = arith.constant 0 : i32
        %ne3A_346 = arith.cmpi ne, %rem3A_344, %ne3A_345 : i32
        %and3A_347 = arith.andi %ne3A_343, %ne3A_346 : i1
        %sub3A_348 = arith.constant 1 : i32
        %sub3A_349 = arith.subi %div3A_328, %sub3A_348 : i32
        %select_n3A_350 = arith.select %and3A_347, %sub3A_349, %div3A_328 : i32
        %mul3A_351 = arith.constant 4096 : i32
        %mul3A_352 = arith.muli %select_n3A_350, %mul3A_351 : i32
        %dma_start3A_353 = tpu.memref_slice %arg2[%mul3A_352] : memref<819200xi32, #tpu.memory_space<hbm>> -> memref<4096xi32, #tpu.memory_space<hbm>>
        %dma_start3A_354 = tpu.memref_slice %arg2[%mul3A_352] : memref<819200xi32, #tpu.memory_space<hbm>> -> memref<4096xi32, #tpu.memory_space<hbm>>
        tpu.enqueue_dma source(%dma_start3A_354 : memref<4096xi32, #tpu.memory_space<hbm>>) target(%arg10 : memref<4096xi32, #tpu.memory_space<vmem>>) target_semaphore(%arg18 : memref<!tpu.dma_semaphore, #tpu.memory_space<semaphore_mem>>)
        %dma_start3A_355 = tpu.memref_slice %arg3[%mul3A_352] : memref<819200xi32, #tpu.memory_space<hbm>> -> memref<4096xi32, #tpu.memory_space<hbm>>
        %dma_start3A_356 = tpu.memref_slice %arg3[%mul3A_352] : memref<819200xi32, #tpu.memory_space<hbm>> -> memref<4096xi32, #tpu.memory_space<hbm>>
        tpu.enqueue_dma source(%dma_start3A_356 : memref<4096xi32, #tpu.memory_space<hbm>>) target(%arg12 : memref<4096xi32, #tpu.memory_space<vmem>>) target_semaphore(%arg18 : memref<!tpu.dma_semaphore, #tpu.memory_space<semaphore_mem>>)
      } else {
      }
      %add3A_234 = arith.addi %mul3A_2, %add3A_228 : i32
      %jit3A_235 = arith.constant 8 : i32
      %div3A_236 = arith.divsi %add3A_234, %jit3A_235 : i32
      %sign3A_237 = arith.constant 0 : i32
      %sign3A_238 = arith.cmpi sgt, %add3A_234, %sign3A_237 : i32
      %sign3A_239 = arith.extui %sign3A_238 : i1 to i32
      %sign3A_240 = arith.constant 0 : i32
      %sign3A_241 = arith.cmpi slt, %add3A_234, %sign3A_240 : i32
      %sign3A_242 = arith.extui %sign3A_241 : i1 to i32
      %sign3A_243 = arith.subi %sign3A_239, %sign3A_242 : i32
      %sign3A_244 = arith.constant 0 : i32
      %sign3A_245 = arith.cmpi sgt, %jit3A_235, %sign3A_244 : i32
      %sign3A_246 = arith.extui %sign3A_245 : i1 to i32
      %sign3A_247 = arith.constant 0 : i32
      %sign3A_248 = arith.cmpi slt, %jit3A_235, %sign3A_247 : i32
      %sign3A_249 = arith.extui %sign3A_248 : i1 to i32
      %sign3A_250 = arith.subi %sign3A_246, %sign3A_249 : i32
      %ne3A_251 = arith.cmpi ne, %sign3A_243, %sign3A_250 : i32
      %rem3A_252 = arith.remsi %add3A_234, %jit3A_235 : i32
      %ne3A_253 = arith.constant 0 : i32
      %ne3A_254 = arith.cmpi ne, %rem3A_252, %ne3A_253 : i32
      %and3A_255 = arith.andi %ne3A_251, %ne3A_254 : i1
      %sub3A_256 = arith.constant 1 : i32
      %sub3A_257 = arith.subi %div3A_236, %sub3A_256 : i32
      %select_n3A_258 = arith.select %and3A_255, %sub3A_257, %div3A_236 : i32
      %mul3A_259 = arith.constant 4096 : i32
      %mul3A_260 = arith.muli %select_n3A_258, %mul3A_259 : i32
      %dma_wait3A_261 = tpu.memref_slice %arg2[%mul3A_260] : memref<819200xi32, #tpu.memory_space<hbm>> -> memref<4096xi32, #tpu.memory_space<hbm>>
      %dma_wait3A_262 = tpu.memref_slice %arg2[%mul3A_260] : memref<819200xi32, #tpu.memory_space<hbm>> -> memref<4096xi32, #tpu.memory_space<hbm>>
      tpu.wait_dma2 semaphore(%arg19 : memref<!tpu.dma_semaphore, #tpu.memory_space<semaphore_mem>>) src(%dma_wait3A_262 : memref<4096xi32, #tpu.memory_space<hbm>>) dst(%arg11 : memref<4096xi32, #tpu.memory_space<vmem>>)
      %dma_wait3A_263 = tpu.memref_slice %arg3[%mul3A_260] : memref<819200xi32, #tpu.memory_space<hbm>> -> memref<4096xi32, #tpu.memory_space<hbm>>
      %dma_wait3A_264 = tpu.memref_slice %arg3[%mul3A_260] : memref<819200xi32, #tpu.memory_space<hbm>> -> memref<4096xi32, #tpu.memory_space<hbm>>
      tpu.wait_dma2 semaphore(%arg19 : memref<!tpu.dma_semaphore, #tpu.memory_space<semaphore_mem>>) src(%dma_wait3A_264 : memref<4096xi32, #tpu.memory_space<hbm>>) dst(%arg13 : memref<4096xi32, #tpu.memory_space<vmem>>)
      %gt3A_265 = arith.constant 0 : i32
      %gt3A_266 = arith.cmpi sgt, %scan3A_102, %gt3A_265 : i32
      %convert_element_type3A_267 = arith.extui %gt3A_266 : i1 to i32
      %cond3A_268 = arith.constant 0 : i32
      %cond3A_269 = arith.cmpi ne, %convert_element_type3A_267, %cond3A_268 : i32
      scf.if %cond3A_269 {
        %sub3A_324 = arith.constant 2 : i32
        %sub3A_325 = arith.subi %add3A_228, %sub3A_324 : i32
        %add3A_326 = arith.addi %mul3A_2, %sub3A_325 : i32
        %jit3A_327 = arith.constant 8 : i32
        %div3A_328 = arith.divsi %add3A_326, %jit3A_327 : i32
        %sign3A_329 = arith.constant 0 : i32
        %sign3A_330 = arith.cmpi sgt, %add3A_326, %sign3A_329 : i32
        %sign3A_331 = arith.extui %sign3A_330 : i1 to i32
        %sign3A_332 = arith.constant 0 : i32
        %sign3A_333 = arith.cmpi slt, %add3A_326, %sign3A_332 : i32
        %sign3A_334 = arith.extui %sign3A_333 : i1 to i32
        %sign3A_335 = arith.subi %sign3A_331, %sign3A_334 : i32
        %sign3A_336 = arith.constant 0 : i32
        %sign3A_337 = arith.cmpi sgt, %jit3A_327, %sign3A_336 : i32
        %sign3A_338 = arith.extui %sign3A_337 : i1 to i32
        %sign3A_339 = arith.constant 0 : i32
        %sign3A_340 = arith.cmpi slt, %jit3A_327, %sign3A_339 : i32
        %sign3A_341 = arith.extui %sign3A_340 : i1 to i32
        %sign3A_342 = arith.subi %sign3A_338, %sign3A_341 : i32
        %ne3A_343 = arith.cmpi ne, %sign3A_335, %sign3A_342 : i32
        %rem3A_344 = arith.remsi %add3A_326, %jit3A_327 : i32
        %ne3A_345 = arith.constant 0 : i32
        %ne3A_346 = arith.cmpi ne, %rem3A_344, %ne3A_345 : i32
        %and3A_347 = arith.andi %ne3A_343, %ne3A_346 : i1
        %sub3A_348 = arith.constant 1 : i32
        %sub3A_349 = arith.subi %div3A_328, %sub3A_348 : i32
        %select_n3A_350 = arith.select %and3A_347, %sub3A_349, %div3A_328 : i32
        %mul3A_351 = arith.constant 8 : i32
        %mul3A_352 = arith.muli %select_n3A_350, %mul3A_351 : i32
        %sub3A_353 = arith.subi %add3A_326, %mul3A_352 : i32
        %mul3A_354 = arith.constant 8 : i32
        %mul3A_355 = arith.muli %sub3A_353, %mul3A_354 : i32
        %dma_wait3A_356 = arith.constant 0 : i32
        %dma_wait3A_357 = tpu.memref_slice %arg6[%select_n3A_350, %mul3A_355, %dma_wait3A_356] : memref<200x64x4096xf32, #tpu.memory_space<hbm>> -> memref<1x8x4096xf32, #tpu.memory_space<hbm>>
        %dma_wait3A_358 = arith.constant 0 : i32
        %dma_wait3A_359 = tpu.memref_slice %arg6[%select_n3A_350, %mul3A_355, %dma_wait3A_358] : memref<200x64x4096xf32, #tpu.memory_space<hbm>> -> memref<1x8x4096xf32, #tpu.memory_space<hbm>>
        tpu.wait_dma2 semaphore(%arg17 : memref<!tpu.dma_semaphore, #tpu.memory_space<semaphore_mem>>) src(%arg15 : memref<1x8x4096xf32, #tpu.memory_space<vmem>>) dst(%dma_wait3A_359 : memref<1x8x4096xf32, #tpu.memory_space<hbm>>)
      } else {
      }
      %add3A_270 = arith.addi %mul3A_2, %add3A_228 : i32
      %jit3A_271 = arith.constant 8 : i32
      %eq3A_272 = arith.constant 0 : i32
      %eq3A_273 = arith.cmpi eq, %jit3A_271, %eq3A_272 : i32
      %jit3A_274 = arith.constant 1 : i32
      %select_n3A_275 = arith.select %eq3A_273, %jit3A_274, %jit3A_271 : i32
      %rem3A_276 = arith.remsi %add3A_270, %select_n3A_275 : i32
      %ne3A_277 = arith.constant 0 : i32
      %ne3A_278 = arith.cmpi ne, %rem3A_276, %ne3A_277 : i32
      %lt3A_279 = arith.constant 0 : i32
      %lt3A_280 = arith.cmpi slt, %rem3A_276, %lt3A_279 : i32
      %lt3A_281 = arith.constant 0 : i32
      %lt3A_282 = arith.cmpi slt, %select_n3A_275, %lt3A_281 : i32
      %ne3A_283 = arith.xori %lt3A_280, %lt3A_282 : i1
      %and3A_284 = arith.andi %ne3A_283, %ne3A_278 : i1
      %add3A_285 = arith.addi %rem3A_276, %select_n3A_275 : i32
      %select_n3A_286 = arith.select %and3A_284, %add3A_285, %rem3A_276 : i32
      %parallel_loop3A_287 = arith.constant 0 : i32
      %parallel_loop3A_288 = arith.constant 256 : i32
      %parallel_loop3A_289 = arith.constant 1 : i32
      scf.for %parallel_loop3A_324 = %parallel_loop3A_287 to %parallel_loop3A_288 step %parallel_loop3A_289  : i32 {
        %parallel_loop3A_325 = arith.constant 16 : i32
        %parallel_loop3A_326 = arith.muli %parallel_loop3A_324, %parallel_loop3A_325 : i32
        %parallel_loop3A_327 = arith.index_cast %parallel_loop3A_326 : i32 to index
        %parallel_loop3A_328 = tpu.vector_load %arg11[%parallel_loop3A_327] {strides = array<i32>} : memref<4096xi32, #tpu.memory_space<vmem>>, vector<16xi32>,
        %parallel_loop3A_329 = arith.constant 16 : i32
        %parallel_loop3A_330 = arith.muli %parallel_loop3A_324, %parallel_loop3A_329 : i32
        %parallel_loop3A_331 = arith.index_cast %parallel_loop3A_330 : i32 to index
        %parallel_loop3A_332 = tpu.vector_load %arg13[%parallel_loop3A_331] {strides = array<i32>} : memref<4096xi32, #tpu.memory_space<vmem>>, vector<16xi32>,
        %parallel_loop3A_333 = arith.constant 9 : i32
        %parallel_loop3A_334 = vector.broadcast %parallel_loop3A_333 : i32 to vector<16xi32>
        %parallel_loop3A_335 = arith.muli %parallel_loop3A_328, %parallel_loop3A_334 : vector<16xi32>
        %parallel_loop3A_336 = arith.addi %parallel_loop3A_335, %parallel_loop3A_332 : vector<16xi32>
        %parallel_loop3A_337 = arith.constant 64 : i32
        %parallel_loop3A_338 = vector.broadcast %parallel_loop3A_337 : i32 to vector<16xi32>
        %parallel_loop3A_339 = arith.muli %parallel_loop3A_336, %parallel_loop3A_338 : vector<16xi32>
        %parallel_loop3A_340 = arith.addi %parallel_loop3A_339, %parallel_loop3A_336 : vector<16xi32>
        %parallel_loop3A_341 = arith.constant 8 : i32
        %parallel_loop3A_342 = arith.muli %select_n3A_286, %parallel_loop3A_341 : i32
        %parallel_loop3A_343 = vector.broadcast %parallel_loop3A_342 : i32 to vector<16xi32>
        %parallel_loop3A_344 = arith.addi %parallel_loop3A_340, %parallel_loop3A_343 : vector<16xi32>
        %parallel_loop3A_345 = arith.constant 16 : i32
        %parallel_loop3A_346 = arith.muli %parallel_loop3A_324, %parallel_loop3A_345 : i32
        %parallel_loop3A_347 = arith.constant 0 : i32
        %parallel_loop3A_348 = vector.broadcast %parallel_loop3A_347 : i32 to vector<16xi32>
        %parallel_loop3A_349 = arith.addi %parallel_loop3A_344, %parallel_loop3A_348 : vector<16xi32>
        %parallel_loop3A_350 = tpu.vector_load_idx %arg9[%parallel_loop3A_349] : memref<9945xf32, #tpu.memory_space<vmem>>[vector<16xi32>], vector<16xf32>,
        %parallel_loop3A_351 = arith.constant 0 : i32
        %parallel_loop3A_352 = arith.constant 0 : i32
        %parallel_loop3A_353 = arith.index_cast %parallel_loop3A_351 : i32 to index
        %parallel_loop3A_354 = arith.index_cast %parallel_loop3A_352 : i32 to index
        %parallel_loop3A_355 = arith.index_cast %parallel_loop3A_346 : i32 to index
        %parallel_loop3A_356 = tpu.vector_load %arg15[%parallel_loop3A_353, %parallel_loop3A_354, %parallel_loop3A_355] {strides = array<i32>} : memref<1x8x4096xf32, #tpu.memory_space<vmem>>, vector<16xf32>,
        tpu.vector_store %arg15[%parallel_loop3A_353, %parallel_loop3A_354, %parallel_loop3A_355], %parallel_loop3A_350 {strides = array<i32>} : memref<1x8x4096xf32, #tpu.memory_space<vmem>>, vector<16xf32>,
        %parallel_loop3A_357 = arith.constant 1 : i32
        %parallel_loop3A_358 = vector.broadcast %parallel_loop3A_357 : i32 to vector<16xi32>
        %parallel_loop3A_359 = arith.addi %parallel_loop3A_344, %parallel_loop3A_358 : vector<16xi32>
        %parallel_loop3A_360 = tpu.vector_load_idx %arg9[%parallel_loop3A_359] : memref<9945xf32, #tpu.memory_space<vmem>>[vector<16xi32>], vector<16xf32>,
        %parallel_loop3A_361 = arith.constant 0 : i32
        %parallel_loop3A_362 = arith.constant 1 : i32
        %parallel_loop3A_363 = arith.index_cast %parallel_loop3A_361 : i32 to index
        %parallel_loop3A_364 = arith.index_cast %parallel_loop3A_362 : i32 to index
        %parallel_loop3A_365 = arith.index_cast %parallel_loop3A_346 : i32 to index
        %parallel_loop3A_366 = tpu.vector_load %arg15[%parallel_loop3A_363, %parallel_loop3A_364, %parallel_loop3A_365] {strides = array<i32>} : memref<1x8x4096xf32, #tpu.memory_space<vmem>>, vector<16xf32>,
        tpu.vector_store %arg15[%parallel_loop3A_363, %parallel_loop3A_364, %parallel_loop3A_365], %parallel_loop3A_360 {strides = array<i32>} : memref<1x8x4096xf32, #tpu.memory_space<vmem>>, vector<16xf32>,
        %parallel_loop3A_367 = arith.constant 2 : i32
        %parallel_loop3A_368 = vector.broadcast %parallel_loop3A_367 : i32 to vector<16xi32>
        %parallel_loop3A_369 = arith.addi %parallel_loop3A_344, %parallel_loop3A_368 : vector<16xi32>
        %parallel_loop3A_370 = tpu.vector_load_idx %arg9[%parallel_loop3A_369] : memref<9945xf32, #tpu.memory_space<vmem>>[vector<16xi32>], vector<16xf32>,
        %parallel_loop3A_371 = arith.constant 0 : i32
        %parallel_loop3A_372 = arith.constant 2 : i32
        %parallel_loop3A_373 = arith.index_cast %parallel_loop3A_371 : i32 to index
        %parallel_loop3A_374 = arith.index_cast %parallel_loop3A_372 : i32 to index
        %parallel_loop3A_375 = arith.index_cast %parallel_loop3A_346 : i32 to index
        %parallel_loop3A_376 = tpu.vector_load %arg15[%parallel_loop3A_373, %parallel_loop3A_374, %parallel_loop3A_375] {strides = array<i32>} : memref<1x8x4096xf32, #tpu.memory_space<vmem>>, vector<16xf32>,
        tpu.vector_store %arg15[%parallel_loop3A_373, %parallel_loop3A_374, %parallel_loop3A_375], %parallel_loop3A_370 {strides = array<i32>} : memref<1x8x4096xf32, #tpu.memory_space<vmem>>, vector<16xf32>,
        %parallel_loop3A_377 = arith.constant 3 : i32
        %parallel_loop3A_378 = vector.broadcast %parallel_loop3A_377 : i32 to vector<16xi32>
        %parallel_loop3A_379 = arith.addi %parallel_loop3A_344, %parallel_loop3A_378 : vector<16xi32>
        %parallel_loop3A_380 = tpu.vector_load_idx %arg9[%parallel_loop3A_379] : memref<9945xf32, #tpu.memory_space<vmem>>[vector<16xi32>], vector<16xf32>,
        %parallel_loop3A_381 = arith.constant 0 : i32
        %parallel_loop3A_382 = arith.constant 3 : i32
        %parallel_loop3A_383 = arith.index_cast %parallel_loop3A_381 : i32 to index
        %parallel_loop3A_384 = arith.index_cast %parallel_loop3A_382 : i32 to index
        %parallel_loop3A_385 = arith.index_cast %parallel_loop3A_346 : i32 to index
        %parallel_loop3A_386 = tpu.vector_load %arg15[%parallel_loop3A_383, %parallel_loop3A_384, %parallel_loop3A_385] {strides = array<i32>} : memref<1x8x4096xf32, #tpu.memory_space<vmem>>, vector<16xf32>,
        tpu.vector_store %arg15[%parallel_loop3A_383, %parallel_loop3A_384, %parallel_loop3A_385], %parallel_loop3A_380 {strides = array<i32>} : memref<1x8x4096xf32, #tpu.memory_space<vmem>>, vector<16xf32>,
        %parallel_loop3A_387 = arith.constant 4 : i32
        %parallel_loop3A_388 = vector.broadcast %parallel_loop3A_387 : i32 to vector<16xi32>
        %parallel_loop3A_389 = arith.addi %parallel_loop3A_344, %parallel_loop3A_388 : vector<16xi32>
        %parallel_loop3A_390 = tpu.vector_load_idx %arg9[%parallel_loop3A_389] : memref<9945xf32, #tpu.memory_space<vmem>>[vector<16xi32>], vector<16xf32>,
        %parallel_loop3A_391 = arith.constant 0 : i32
        %parallel_loop3A_392 = arith.constant 4 : i32
        %parallel_loop3A_393 = arith.index_cast %parallel_loop3A_391 : i32 to index
        %parallel_loop3A_394 = arith.index_cast %parallel_loop3A_392 : i32 to index
        %parallel_loop3A_395 = arith.index_cast %parallel_loop3A_346 : i32 to index
        %parallel_loop3A_396 = tpu.vector_load %arg15[%parallel_loop3A_393, %parallel_loop3A_394, %parallel_loop3A_395] {strides = array<i32>} : memref<1x8x4096xf32, #tpu.memory_space<vmem>>, vector<16xf32>,
        tpu.vector_store %arg15[%parallel_loop3A_393, %parallel_loop3A_394, %parallel_loop3A_395], %parallel_loop3A_390 {strides = array<i32>} : memref<1x8x4096xf32, #tpu.memory_space<vmem>>, vector<16xf32>,
        %parallel_loop3A_397 = arith.constant 5 : i32
        %parallel_loop3A_398 = vector.broadcast %parallel_loop3A_397 : i32 to vector<16xi32>
        %parallel_loop3A_399 = arith.addi %parallel_loop3A_344, %parallel_loop3A_398 : vector<16xi32>
        %parallel_loop3A_400 = tpu.vector_load_idx %arg9[%parallel_loop3A_399] : memref<9945xf32, #tpu.memory_space<vmem>>[vector<16xi32>], vector<16xf32>,
        %parallel_loop3A_401 = arith.constant 0 : i32
        %parallel_loop3A_402 = arith.constant 5 : i32
        %parallel_loop3A_403 = arith.index_cast %parallel_loop3A_401 : i32 to index
        %parallel_loop3A_404 = arith.index_cast %parallel_loop3A_402 : i32 to index
        %parallel_loop3A_405 = arith.index_cast %parallel_loop3A_346 : i32 to index
        %parallel_loop3A_406 = tpu.vector_load %arg15[%parallel_loop3A_403, %parallel_loop3A_404, %parallel_loop3A_405] {strides = array<i32>} : memref<1x8x4096xf32, #tpu.memory_space<vmem>>, vector<16xf32>,
        tpu.vector_store %arg15[%parallel_loop3A_403, %parallel_loop3A_404, %parallel_loop3A_405], %parallel_loop3A_400 {strides = array<i32>} : memref<1x8x4096xf32, #tpu.memory_space<vmem>>, vector<16xf32>,
        %parallel_loop3A_407 = arith.constant 6 : i32
        %parallel_loop3A_408 = vector.broadcast %parallel_loop3A_407 : i32 to vector<16xi32>
        %parallel_loop3A_409 = arith.addi %parallel_loop3A_344, %parallel_loop3A_408 : vector<16xi32>
        %parallel_loop3A_410 = tpu.vector_load_idx %arg9[%parallel_loop3A_409] : memref<9945xf32, #tpu.memory_space<vmem>>[vector<16xi32>], vector<16xf32>,
        %parallel_loop3A_411 = arith.constant 0 : i32
        %parallel_loop3A_412 = arith.constant 6 : i32
        %parallel_loop3A_413 = arith.index_cast %parallel_loop3A_411 : i32 to index
        %parallel_loop3A_414 = arith.index_cast %parallel_loop3A_412 : i32 to index
        %parallel_loop3A_415 = arith.index_cast %parallel_loop3A_346 : i32 to index
        %parallel_loop3A_416 = tpu.vector_load %arg15[%parallel_loop3A_413, %parallel_loop3A_414, %parallel_loop3A_415] {strides = array<i32>} : memref<1x8x4096xf32, #tpu.memory_space<vmem>>, vector<16xf32>,
        tpu.vector_store %arg15[%parallel_loop3A_413, %parallel_loop3A_414, %parallel_loop3A_415], %parallel_loop3A_410 {strides = array<i32>} : memref<1x8x4096xf32, #tpu.memory_space<vmem>>, vector<16xf32>,
        %parallel_loop3A_417 = arith.constant 7 : i32
        %parallel_loop3A_418 = vector.broadcast %parallel_loop3A_417 : i32 to vector<16xi32>
        %parallel_loop3A_419 = arith.addi %parallel_loop3A_344, %parallel_loop3A_418 : vector<16xi32>
        %parallel_loop3A_420 = tpu.vector_load_idx %arg9[%parallel_loop3A_419] : memref<9945xf32, #tpu.memory_space<vmem>>[vector<16xi32>], vector<16xf32>,
        %parallel_loop3A_421 = arith.constant 0 : i32
        %parallel_loop3A_422 = arith.constant 7 : i32
        %parallel_loop3A_423 = arith.index_cast %parallel_loop3A_421 : i32 to index
        %parallel_loop3A_424 = arith.index_cast %parallel_loop3A_422 : i32 to index
        %parallel_loop3A_425 = arith.index_cast %parallel_loop3A_346 : i32 to index
        %parallel_loop3A_426 = tpu.vector_load %arg15[%parallel_loop3A_423, %parallel_loop3A_424, %parallel_loop3A_425] {strides = array<i32>} : memref<1x8x4096xf32, #tpu.memory_space<vmem>>, vector<16xf32>,
        tpu.vector_store %arg15[%parallel_loop3A_423, %parallel_loop3A_424, %parallel_loop3A_425], %parallel_loop3A_420 {strides = array<i32>} : memref<1x8x4096xf32, #tpu.memory_space<vmem>>, vector<16xf32>,
      } {sc.loop_unroll_factor = 1 : i64, sc.parallel_access}
      %add3A_290 = arith.addi %mul3A_2, %add3A_228 : i32
      %jit3A_291 = arith.constant 8 : i32
      %div3A_292 = arith.divsi %add3A_290, %jit3A_291 : i32
      %sign3A_293 = arith.constant 0 : i32
      %sign3A_294 = arith.cmpi sgt, %add3A_290, %sign3A_293 : i32
      %sign3A_295 = arith.extui %sign3A_294 : i1 to i32
      %sign3A_296 = arith.constant 0 : i32
      %sign3A_297 = arith.cmpi slt, %add3A_290, %sign3A_296 : i32
      %sign3A_298 = arith.extui %sign3A_297 : i1 to i32
      %sign3A_299 = arith.subi %sign3A_295, %sign3A_298 : i32
      %sign3A_300 = arith.constant 0 : i32
      %sign3A_301 = arith.cmpi sgt, %jit3A_291, %sign3A_300 : i32
      %sign3A_302 = arith.extui %sign3A_301 : i1 to i32
      %sign3A_303 = arith.constant 0 : i32
      %sign3A_304 = arith.cmpi slt, %jit3A_291, %sign3A_303 : i32
      %sign3A_305 = arith.extui %sign3A_304 : i1 to i32
      %sign3A_306 = arith.subi %sign3A_302, %sign3A_305 : i32
      %ne3A_307 = arith.cmpi ne, %sign3A_299, %sign3A_306 : i32
      %rem3A_308 = arith.remsi %add3A_290, %jit3A_291 : i32
      %ne3A_309 = arith.constant 0 : i32
      %ne3A_310 = arith.cmpi ne, %rem3A_308, %ne3A_309 : i32
      %and3A_311 = arith.andi %ne3A_307, %ne3A_310 : i1
      %sub3A_312 = arith.constant 1 : i32
      %sub3A_313 = arith.subi %div3A_292, %sub3A_312 : i32
      %select_n3A_314 = arith.select %and3A_311, %sub3A_313, %div3A_292 : i32
      %mul3A_315 = arith.constant 8 : i32
      %mul3A_316 = arith.muli %select_n3A_314, %mul3A_315 : i32
      %sub3A_317 = arith.subi %add3A_290, %mul3A_316 : i32
      %mul3A_318 = arith.constant 8 : i32
      %mul3A_319 = arith.muli %sub3A_317, %mul3A_318 : i32
      %dma_start3A_320 = arith.constant 0 : i32
      %dma_start3A_321 = tpu.memref_slice %arg6[%select_n3A_314, %mul3A_319, %dma_start3A_320] : memref<200x64x4096xf32, #tpu.memory_space<hbm>> -> memref<1x8x4096xf32, #tpu.memory_space<hbm>>
      %dma_start3A_322 = arith.constant 0 : i32
      %dma_start3A_323 = tpu.memref_slice %arg6[%select_n3A_314, %mul3A_319, %dma_start3A_322] : memref<200x64x4096xf32, #tpu.memory_space<hbm>> -> memref<1x8x4096xf32, #tpu.memory_space<hbm>>
      tpu.enqueue_dma source(%arg15 : memref<1x8x4096xf32, #tpu.memory_space<vmem>>) target(%dma_start3A_323 : memref<1x8x4096xf32, #tpu.memory_space<hbm>>) target_semaphore(%arg17 : memref<!tpu.dma_semaphore, #tpu.memory_space<semaphore_mem>>)
    }
    %scan3A_32 = arith.constant 25 : i32
    %add3A_33 = arith.constant 48 : i32
    %add3A_34 = arith.addi %mul3A_2, %add3A_33 : i32
    %jit3A_35 = arith.constant 8 : i32
    %div3A_36 = arith.divsi %add3A_34, %jit3A_35 : i32
    %sign3A_37 = arith.constant 0 : i32
    %sign3A_38 = arith.cmpi sgt, %add3A_34, %sign3A_37 : i32
    %sign3A_39 = arith.extui %sign3A_38 : i1 to i32
    %sign3A_40 = arith.constant 0 : i32
    %sign3A_41 = arith.cmpi slt, %add3A_34, %sign3A_40 : i32
    %sign3A_42 = arith.extui %sign3A_41 : i1 to i32
    %sign3A_43 = arith.subi %sign3A_39, %sign3A_42 : i32
    %sign3A_44 = arith.constant 0 : i32
    %sign3A_45 = arith.cmpi sgt, %jit3A_35, %sign3A_44 : i32
    %sign3A_46 = arith.extui %sign3A_45 : i1 to i32
    %sign3A_47 = arith.constant 0 : i32
    %sign3A_48 = arith.cmpi slt, %jit3A_35, %sign3A_47 : i32
    %sign3A_49 = arith.extui %sign3A_48 : i1 to i32
    %sign3A_50 = arith.subi %sign3A_46, %sign3A_49 : i32
    %ne3A_51 = arith.cmpi ne, %sign3A_43, %sign3A_50 : i32
    %rem3A_52 = arith.remsi %add3A_34, %jit3A_35 : i32
    %ne3A_53 = arith.constant 0 : i32
    %ne3A_54 = arith.cmpi ne, %rem3A_52, %ne3A_53 : i32
    %and3A_55 = arith.andi %ne3A_51, %ne3A_54 : i1
    %sub3A_56 = arith.constant 1 : i32
    %sub3A_57 = arith.subi %div3A_36, %sub3A_56 : i32
    %select_n3A_58 = arith.select %and3A_55, %sub3A_57, %div3A_36 : i32
    %mul3A_59 = arith.constant 8 : i32
    %mul3A_60 = arith.muli %select_n3A_58, %mul3A_59 : i32
    %sub3A_61 = arith.subi %add3A_34, %mul3A_60 : i32
    %mul3A_62 = arith.constant 8 : i32
    %mul3A_63 = arith.muli %sub3A_61, %mul3A_62 : i32
    %dma_wait3A = arith.constant 0 : i32
    %dma_wait3A_64 = tpu.memref_slice %arg6[%select_n3A_58, %mul3A_63, %dma_wait3A] : memref<200x64x4096xf32, #tpu.memory_space<hbm>> -> memref<1x8x4096xf32, #tpu.memory_space<hbm>>
    %dma_wait3A_65 = arith.constant 0 : i32
    %dma_wait3A_66 = tpu.memref_slice %arg6[%select_n3A_58, %mul3A_63, %dma_wait3A_65] : memref<200x64x4096xf32, #tpu.memory_space<hbm>> -> memref<1x8x4096xf32, #tpu.memory_space<hbm>>
    tpu.wait_dma2 semaphore(%arg16 : memref<!tpu.dma_semaphore, #tpu.memory_space<semaphore_mem>>) src(%arg14 : memref<1x8x4096xf32, #tpu.memory_space<vmem>>) dst(%dma_wait3A_66 : memref<1x8x4096xf32, #tpu.memory_space<hbm>>)
    %add3A_67 = arith.constant 49 : i32
    %add3A_68 = arith.addi %mul3A_2, %add3A_67 : i32
    %jit3A_69 = arith.constant 8 : i32
    %div3A_70 = arith.divsi %add3A_68, %jit3A_69 : i32
    %sign3A_71 = arith.constant 0 : i32
    %sign3A_72 = arith.cmpi sgt, %add3A_68, %sign3A_71 : i32
    %sign3A_73 = arith.extui %sign3A_72 : i1 to i32
    %sign3A_74 = arith.constant 0 : i32
    %sign3A_75 = arith.cmpi slt, %add3A_68, %sign3A_74 : i32
    %sign3A_76 = arith.extui %sign3A_75 : i1 to i32
    %sign3A_77 = arith.subi %sign3A_73, %sign3A_76 : i32
    %sign3A_78 = arith.constant 0 : i32
    %sign3A_79 = arith.cmpi sgt, %jit3A_69, %sign3A_78 : i32
    %sign3A_80 = arith.extui %sign3A_79 : i1 to i32
    %sign3A_81 = arith.constant 0 : i32
    %sign3A_82 = arith.cmpi slt, %jit3A_69, %sign3A_81 : i32
    %sign3A_83 = arith.extui %sign3A_82 : i1 to i32
    %sign3A_84 = arith.subi %sign3A_80, %sign3A_83 : i32
    %ne3A_85 = arith.cmpi ne, %sign3A_77, %sign3A_84 : i32
    %rem3A_86 = arith.remsi %add3A_68, %jit3A_69 : i32
    %ne3A_87 = arith.constant 0 : i32
    %ne3A_88 = arith.cmpi ne, %rem3A_86, %ne3A_87 : i32
    %and3A_89 = arith.andi %ne3A_85, %ne3A_88 : i1
    %sub3A_90 = arith.constant 1 : i32
    %sub3A_91 = arith.subi %div3A_70, %sub3A_90 : i32
    %select_n3A_92 = arith.select %and3A_89, %sub3A_91, %div3A_70 : i32
    %mul3A_93 = arith.constant 8 : i32
    %mul3A_94 = arith.muli %select_n3A_92, %mul3A_93 : i32
    %sub3A_95 = arith.subi %add3A_68, %mul3A_94 : i32
    %mul3A_96 = arith.constant 8 : i32
    %mul3A_97 = arith.muli %sub3A_95, %mul3A_96 : i32
    %dma_wait3A_98 = arith.constant 0 : i32
    %dma_wait3A_99 = tpu.memref_slice %arg6[%select_n3A_92, %mul3A_97, %dma_wait3A_98] : memref<200x64x4096xf32, #tpu.memory_space<hbm>> -> memref<1x8x4096xf32, #tpu.memory_space<hbm>>
    %dma_wait3A_100 = arith.constant 0 : i32
    %dma_wait3A_101 = tpu.memref_slice %arg6[%select_n3A_92, %mul3A_97, %dma_wait3A_100] : memref<200x64x4096xf32, #tpu.memory_space<hbm>> -> memref<1x8x4096xf32, #tpu.memory_space<hbm>>
    tpu.wait_dma2 semaphore(%arg17 : memref<!tpu.dma_semaphore, #tpu.memory_space<semaphore_mem>>) src(%arg15 : memref<1x8x4096xf32, #tpu.memory_space<vmem>>) dst(%dma_wait3A_101 : memref<1x8x4096xf32, #tpu.memory_space<hbm>>)
    return
  }
}

</mosaic_0001>

<sc_bundles>
// kernel: kernel.3.cloned.1.call-start
scs
__scs_entry_jumppad:
0x0: {  	(pc) =	sbr.rel $0x88, $3  }
0x1: {  	(tag) =	ssettag $0x0;
	lr =	simm.s32 $0x1  }
0x2: {  	[smem:$0x3F9D] =	sst lr;
	_ =	strace $0xD0000000  }
0x3: {  	_ = 	snop  }
0x4: {  	_ = 	snop  }
0x5: {  	_ = 	snop  }
0x6: {  	_ = 	snop  }
0x7: {  	_ = 	snop  }
__scs_overlays_trampoline_lowered:
0x8: {  	[smem:$0x3FAC] =	sst s0  }
0x9: {  	[smem:$0x3FAD] =	sst s1  }
0xa: {  	[smem:$0x3FAE] =	sst s2  }
0xb: {  	[smem:$0x3FAF] =	sst s3  }
0xc: {  	[smem:$0x3FB0] =	sst s4  }
0xd: {  	[smem:$0x3FB1] =	sst s5  }
0xe: {  	[smem:$0x3FB2] =	sst s6  }
0xf: {  	[smem:$0x3FB3] =	sst s7  }
0x10: {  	[smem:$0x3FB4] =	sst s8  }
0x11: {  	[smem:$0x3FB5] =	sst s9;
	s0 =	simm.s32 @!p0 $0x0  }
0x12: {  	s1 =	sld [smem:$0x3F9B];
	s0 =	simm.s32 @p0 $0x1  }
0x13: {  	[smem:$0x3FB6] =	sst s0;
	s0 =	simm.s32 @!p1 $0x0  }
0x14: {  	s2 =	sld [smem:$0x3F9A];
	s0 =	simm.s32 @p1 $0x1  }
0x15: {  	[smem:$0x3FB7] =	sst s0;
	s0 =	simm.s32 @!p2 $0x0  }
0x16: {  	s3 =	sld [smem:$0x3FDB];
	s0 =	simm.s32 @p2 $0x1  }
0x17: {  	s4 =	simm.s32 $0x1BF5;
	[smem:$0x3FB9] =	sst s0  }
0x18: {  	s0 =	sld [smem:$0x3F9C];
	_ =	swait.ge [sflag:s4], $0x0  }
0x19: {  	s7 =	sld [smem:$0x3F9D]  }
0x1a: {  	s8 =	sadd.s32 $0xFFFFE003, lr  }
0x1b: {  	s9 =	sadd.s32 $0xFFFFFEF7, lr;
	s5 =	simm.s32 $0xFFFFFFFF;
	p2 =	slt.u32 s8, $0xFFFFF086  }
0x1c: {  	p1 =	slt.u32 s9, $0xF7A;
	s5 =	simm.s32 @!p2 $0x0  }
0x1d: {  	s5 =	simm.s32 @p1 $0x1;
	p0 =	seq.s32 s7, s2  }
0x1e: {  	s7 =	smul.u32 @!p0 $0xF7A, s2;
	p2 =	seq.s32 @!p0 s5, $0x0  }
0x1f: {  	s9 =	smul.u32 $0xF7A, s1;
	s8 =	simm.s32 @!p0 $0x1BF5;
	p2 =	por !p2, p0  }
0x20: {  	[sflag:s8] =	ssyncset.s32 @!p0 $0xFFFFF086;
	s6 =	sadd.s32 @!p0 s3, s7;
	s7 =	simm.s32 @!p0 $0x108  }
0x21: {  	s3 =	sadd.s32 s3, s9;
	s6 =	sadd.s32 @!p0 $0x88, s6;
	s7 =	simm.s32 @p2 $0x1082  }
0x22: {  	[simem:s7], [sflag:s8] =	dma.local @!p0 [hbm:s6], $0xF7A  }
0x23: {  	s9 =	sor.u32 $0xD0000000, s2;
	s6 =	simm.s32 $0x108;
	_ =	swait.ge @!p0 [sflag:s8], $0x0  }
0x24: {  	s3 =	sadd.s32 $0x88, s3;
	s6 =	simm.s32 @!p1 $0x1082;
	[sflag:s4] =	ssyncset.s32 $0xFFFFF086  }
0x25: {  	[simem:s6], [sflag:s4] =	dma.local [hbm:s3], $0xF7A  }
0x26: {  	[smem:$0x3F9D] =	sst s1;
	(tag) =	ssettag s2;
	_ =	strace s9  }
0x27: {  	s1 =	sld [smem:$0x3FAD]  }
0x28: {  	s2 =	sld [smem:$0x3FAE]  }
0x29: {  	s4 =	sld [smem:$0x3FB0]  }
0x2a: {  	p0 =	seq.s32 s5, $0x0;
	s5 =	sld [smem:$0x3FB1]  }
0x2b: {  	s6 =	sld [smem:$0x3FB2]  }
0x2c: {  	s7 =	sld [smem:$0x3FB3]  }
0x2d: {  	s3 =	simm.s32 $0x108;
	s8 =	sld [smem:$0x3FB4]  }
0x2e: {  	s3 =	simm.s32 @!p0 $0x1082;
	s9 =	sld [smem:$0x3FB5]  }
0x2f: {  	lr =	sadd.s32 s0, s3;
	s0 =	sld [smem:$0x3FAC]  }
0x30: {  	s3 =	sld [smem:$0x3FAF]  }
0x31: {  	[smem:$0x3FB8] =	sst s10  }
0x32: {  	s10 =	sld [smem:$0x3FB6];
	_ =	sdelay $0x3  }
0x33: {  	p0 =	seq.s32 s10, $0x1;
	s10 =	sld [smem:$0x3FB8];
	_ =	sdelay $0x3  }
0x34: {  	[smem:$0x3FB8] =	sst s10  }
0x35: {  	s10 =	sld [smem:$0x3FB7];
	_ =	sdelay $0x3  }
0x36: {  	p1 =	seq.s32 s10, $0x1;
	s10 =	sld [smem:$0x3FB8];
	_ =	sdelay $0x3  }
0x37: {  	[smem:$0x3FB8] =	sst s10  }
0x38: {  	s10 =	sld [smem:$0x3FB9]  }
0x39: {  	_ = 	snop;
	(pc) =	sbr.ind lr, $3  }
0x3a: {  	_ = 	snop  }
0x3b: {  	_ = 	snop  }
0x3c: {  	p2 =	seq.s32 s10, $0x1;
	s10 =	sld [smem:$0x3FB8]  }
0x3d: {  	_ =	shalt  }
0x3e: {  	_ =	shalt  }
0x3f: {  	_ =	shalt  }
0x40: {  	_ =	shalt  }
0x41: {  	_ =	shalt  }
0x42: {  	_ =	shalt  }
0x43: {  	_ =	shalt  }
0x44: {  	_ =	shalt  }
0x45: {  	_ =	shalt  }
0x46: {  	_ =	shalt  }
0x47: {  	_ =	shalt  }
0x48: {  	_ =	shalt  }
0x49: {  	_ =	shalt  }
0x4a: {  	_ =	shalt  }
0x4b: {  	_ =	shalt  }
0x4c: {  	_ =	shalt  }
0x4d: {  	_ =	shalt  }
0x4e: {  	_ =	shalt  }
0x4f: {  	_ =	shalt  }
0x50: {  	_ =	shalt  }
0x51: {  	_ =	shalt  }
0x52: {  	_ =	shalt  }
0x53: {  	_ =	shalt  }
0x54: {  	_ =	shalt  }
0x55: {  	_ =	shalt  }
0x56: {  	_ =	shalt  }
0x57: {  	_ =	shalt  }
0x58: {  	_ =	shalt  }
0x59: {  	_ =	shalt  }
0x5a: {  	_ =	shalt  }
0x5b: {  	_ =	shalt  }
0x5c: {  	_ =	shalt  }
0x5d: {  	_ =	shalt  }
0x5e: {  	_ =	shalt  }
0x5f: {  	_ =	shalt  }
0x60: {  	_ =	shalt  }
0x61: {  	_ =	shalt  }
0x62: {  	_ =	shalt  }
0x63: {  	_ =	shalt  }
0x64: {  	_ =	shalt  }
0x65: {  	_ =	shalt  }
0x66: {  	_ =	shalt  }
0x67: {  	_ =	shalt  }
0x68: {  	_ =	shalt  }
0x69: {  	_ =	shalt  }
0x6a: {  	_ =	shalt  }
0x6b: {  	_ =	shalt  }
0x6c: {  	_ =	shalt  }
0x6d: {  	_ =	shalt  }
0x6e: {  	_ =	shalt  }
0x6f: {  	_ =	shalt  }
0x70: {  	_ =	shalt  }
0x71: {  	_ =	shalt  }
0x72: {  	_ =	shalt  }
0x73: {  	_ =	shalt  }
0x74: {  	_ =	shalt  }
0x75: {  	_ =	shalt  }
0x76: {  	_ =	shalt  }
0x77: {  	_ =	shalt  }
0x78: {  	_ =	shalt  }
0x79: {  	_ =	shalt  }
0x7a: {  	_ =	shalt  }
0x7b: {  	_ =	shalt  }
0x7c: {  	_ =	shalt  }
0x7d: {  	_ =	shalt  }
0x7e: {  	_ =	shalt  }
0x7f: {  	_ =	shalt  }
0x80: {  	_ =	shalt  }
0x81: {  	_ =	shalt  }
0x82: {  	_ =	shalt  }
0x83: {  	_ =	shalt  }
0x84: {  	_ =	shalt  }
0x85: {  	_ =	shalt  }
0x86: {  	_ =	shalt  }
0x87: {  	_ =	shalt  }
.Lfunc_end0:
.L_simem_size_0:
called_computation_lowered:
.L_overlay_start_0:
0x88: {  	s2 =	sld [smem:$0x3FD9]  }
0x89: {  	s3 =	sld [smem:$0x3FFE];
	_ =	sdelay $0x1  }
0x8a: {  	s1 =	srdreg.scid  }
0x8b: {  	s0 =	sand.u32 $0x1, s1  }
0x8c: {  	s17 =	sshll.u32 s0, $0xA;
	s2 =	sadd.s32 s3, s2  }
0x8d: {  	s2 =	sadd.s32 s2, s17  }
0x8e: {  	[smem:$0x3FC4] =	sst s2  }
0x8f: {  	_ = 	snop  }
0x90: {  	s2 =	sld [smem:$0x3FD0];
	(tm) =	ssettm $0x1  }
0x91: {  	s18 =	sld [smem:$0x3FFB];
	_ =	sdelay $0x3  }
0x92: {  	_ =	strace s18  }
0x93: {  	s3 =	sld [smem:$0x3FFC];
	_ =	sdelay $0x3  }
0x94: {  	_ =	strace s3  }
0x95: {  	s3 =	sld [smem:$0x3FFD];
	_ =	sdelay $0x3  }
0x96: {  	_ =	strace s3  }
0x97: {  	_ =	strace $0x8FFFFFFF  }
0x98: {  	s19 =	sld [smem:$0x3FDB];
	_ =	sdelay $0x1  }
0x99: {  	s4 =	simm.s32 $_scs_section_size  }
0x9a: {  	s5 =	simm.s32 $_size__tile_overlayer_lowered;
	s6 =	simm.s32 $_tile_overlayer_lowered  }
0x9b: {  	s22 =	simm.s32 $0x1BFF;
	s21 =	sshll.u32 s6, $0x1;
	s3 =	sadd.s32 s4, s19  }
0x9c: {  	s7 =	simm.s32 $0x0;
	s20 =	sshll.u32 s5, $0x1;
	s5 =	sadd.s32 s21, s3  }
0x9d: {  	[timem:s7], [sflag:s22] =	dma.local [hbm:s5], s20  }
0x9e: {  	_ =	swait.ge [sflag:s22], s20  }
0x9f: {  	s4 =	ssub.s32 $0x0, s20;
	[sflag:s22] =	ssyncset.done $0x0  }
0xa0: {  	[sflag:s22] =	ssyncadd.s32 s4;
	_ =	sdelay $0x1  }
0xa1: {  	s23 =	simm.s32 $0x1B8B  }
0xa2: {  	_ =	swait.ge [sflag:s23], $0x1  }
0xa3: {  	[sflag:s23] =	ssyncset.done $0x0  }
0xa4: {  	s25 =	simm.s32 $0x1B8E;
	s24 =	sld [smem:$0x3FFE];
	[sflag:s23] =	ssyncadd.s32 $0xFFFFFFFF  }
0xa5: {  	s26 =	simm.s32 $execute0_lowered;
	[smem:$0x3FD2] =	sst s25  }
0xa6: {  	s5 =	sshll.u32 s26, $0x1;
	_ =	strace $0x80000046;
	[dreg:$0x1] =	wrdreg $0xFFFFFFFF  }
0xa7: {  	s28 =	simm.s32 $_size_execute0_lowered;
	s3 =	sadd.s32 s3, s5;
	[dreg:$0x0] =	wrdreg $0x0  }
0xa8: {  	s5 =	sshll.u32 s28, $0x1;
	[dreg:$0x2] =	wrdreg s3  }
0xa9: {  	[dreg:$0x3] =	wrdreg s5  }
0xaa: {  	[dreg:$0x4] =	wrdreg $0xC0  }
0xab: {  	_ =	task [dreg:s7], $0x5FFFF  }
0xac: {  	[dreg:$0x1] =	wrdreg $0xFFFFFFFF  }
0xad: {  	[dreg:$0x0] =	wrdreg $0x60  }
0xae: {  	[dreg:$0x2] =	wrdreg s24  }
0xaf: {  	[dreg:$0x3] =	wrdreg s2  }
0xb0: {  	[dreg:$0x4] =	wrdreg $0x9  }
0xb1: {  	_ =	task.clear_ibuf [dreg:s7], $0x5FFFF;
	_ =	strace $0x90000046  }
0xb2: {  	s29 =	simm.s32 $0x9;
	_ =	strace $0x80000048  }
0xb3: {  	_ =	swait.ge [sflag:s29], $0x1  }
0xb4: {  	[sflag:s29] =	ssyncadd.s32 $0xFFFFFFFF  }
0xb5: {  	_ =	strace $0x90000048  }
0xb6: {  	_ =	sfence  }
0xb7: {  	s30 =	sld [smem:$0x0];
	_ =	sdelay $0x2  }
0xb8: {  	s31 =	sshll.u32 s1, $0xD;
	s1 =	sshrl.u32 s1, $0x2  }
0xb9: {  	s3 =	sand.u32 $0x4000, s31;
	s1 =	sadd.s32 s1, s30  }
0xba: {  	s0 =	sor.u32 s3, s0;
	s1 =	sshll.u32 s1, $0x11  }
0xbb: {  	s0 =	sor.u32 s1, s0  }
0xbc: {  	s0 =	sadd.s32 $0x8F2B, s0  }
0xbd: {  	[sflag:s0] =	ssyncadd.remote.s32 $0x1  }
0xbe: {  	_ =	sfence.sel $0xFFFF  }
0xbf: {  	[dreg:$0x0] =	wrdreg $0xFFFFFFFF;
	(pc) =	sbr.abs _section_cstart, $3  }
0xc0: {  	[dreg:$0x1] =	wrdreg $0xFFFFFFFF  }
0xc1: {  	_ =	task.clear_ibuf [dreg:s7], $0x2FFFF;
	_ =	strace $0x9FFFFFFF  }
0xc2: {  	(tm) =	ssettm $0x7FFFFFFF  }
0xc3: {  	_ =	shalt  }
tec
execute0_lowered:
.L_overlay_start_1:
0x0: {  	(tag) =	ssettag $0x1  }
0x1: {  	s0 =	rddreg [dreg:$0x0];
	s3 =	simm.s32 $0x0  }
0x2: {  	s1 =	srdreg.scid;
	s2 =	stileid.u32;
	s19 =	simm.s32 $0x3  }
0x3: {  	s20 =	simm.s32 $0x700;
	[smem:$0x7FF] =	sst s3;
	s1 =	sand.u32 $0x1, s1  }
0x4: {  	s5 =	sshll.u32 s2, $0x1;
	s4 =	sadd.s32 $0xA00, s0;
	s24 =	sadd.s32 $0x800, s0  }
0x5: {  	_ =	strace $0x80000047;
	s6 =	sor.u32 s1, s5;
	s5 =	sadd.s32 $0x19A00, s0  }
0x6: {  	s1 =	ssub.s32 $0x2, s1;
	[dreg:$0x3] =	wrdreg s24;
	s25 =	smul.u32 $0x32, s6  }
0x7: {  	s0 =	sadd.s32 $0x600, s0;
	s8 =	smul.u32 $0xC80, s6;
	s9 =	sshrl.u32 s1, $0x1  }
0x8: {  	[dreg:$0x4] =	wrdreg s0;
	s26 =	ssub.s32 s1, s9;
	s31 =	sadd.s32 $0x2, s25  }
0x9: {  	s29 =	sand.u32 $0x1FE00, s8;
	s0 =	smax.u32 s26, $0x1;
	[dreg:$0x7] =	wrdreg s31  }
0xa: {  	s22 =	simm.s32 $0x4;
	s30 =	sadd.s32 s4, s29;
	[dreg:$0x8] =	wrdreg s0  }
0xb: {  	s28 =	simm.s32 $0x0;
	s1 =	sadd.s32 s5, s29;
	[dreg:$0x5] =	wrdreg s30  }
0xc: {  	s2 =	simm.s32 $0x0;
	s11 =	smov.u32 s25;
	[dreg:$0x6] =	wrdreg s1  }
.LBB2_1:
0xd: {  	[dreg:$0x9] =	wrdreg s2  }
0xe: {  	s0 =	rddreg [dreg:$0x3];
	s23 =	simm.s32 $0x5  }
0xf: {  	[tilespmem:s3], [sflag:$0x5] =	stream.linear.gather [hbm4b:s0+s3], $0x480, $0x38;
	[tilespmem:$0x16E00] =	vst v63  }
0x10: {  	s24 =	smulhi.u32 $0x38E38E39, s3;
	_ =	swait.ge [sflag:s23], $0x480  }
0x11: {  	s6 =	simm.s32 $0x480;
	s25 =	smul.u32 $0x39, s3;
	[sflag:s23] =	ssyncset.done $0x0  }
0x12: {  	s0 =	sshrl.u32 s24, $0x1;
	s1 =	rddreg [dreg:$0x4];
	[sflag:s23] =	ssyncadd.s32 $0xFFFFFB80  }
0x13: {  	[tilespmem:s6], [sflag:$0x5] =	stream.linear.gather [hbm4b:s1+s3], $0x280, $0x38;
	[tilespmem:$0x16E00] =	vst v63  }
0x14: {  	s26 =	simm.s32 $0x1;
	s0 =	smul.u32 $0xFFFFF700, s0;
	_ =	swait.ge [sflag:s23], $0x280  }
0x15: {  	s29 =	smulhi.u32 $0x38E38E39, s26;
	s1 =	sshrl.u32 s25, $0x3;
	[sflag:s23] =	ssyncset.done $0x0  }
0x16: {  	s0 =	sshra.s32 s0, $0x2;
	s17 =	sand.u32 $0x1FC0, s1;
	[sflag:s23] =	ssyncadd.s32 $0xFFFFFD80  }
0x17: {  	s15 =	sadd.s32 $0x0, s0;
	v0 =	vld [tilespmem:s17+$0x0]  }
0x18: {  	s1 =	sshrl.u32 s29, $0x1;
	v1 =	vld [tilespmem:s15+$0x480]  }
0x19: {  	s1 =	smul.u32 $0xFFFFF700, s1  }
0x1a: {  	s0 =	smul.u32 $0x39, s26  }
0x1b: {  	s30 =	sshra.s32 s1, $0x2  }
0x1c: {  	s8 =	simm.s32 $0x2;
	s0 =	sshrl.u32 s0, $0x3;
	s6 =	sadd.s32 $0x40, s30  }
0x1d: {  	s9 =	smulhi.u32 $0x38E38E39, s8;
	s1 =	sand.u32 $0x1FC0, s0;
	v2 =	vld [tilespmem:s6+$0x480];
	v0 =	vadd.f32 v1, v0  }
0x1e: {  	s0 =	simm.s32 $0x720;
	v1 =	vld [tilespmem:s1+$0x0]  }
0x1f: {  	s9 =	sshrl.u32 s9, $0x1;
	[tilespmem:s0+$0xFFFFFFE0] =	vst v0  }
0x20: {  	s9 =	smul.u32 $0xFFFFF700, s9;
	v0 =	vld [tilespmem:s17+$0x10]  }
0x21: {  	s8 =	smul.u32 $0x39, s8;
	v3 =	vld [tilespmem:s15+$0x490]  }
0x22: {  	s10 =	sshra.s32 s9, $0x2  }
0x23: {  	s8 =	sshrl.u32 s8, $0x3;
	s10 =	sadd.s32 $0x80, s10;
	v1 =	vadd.f32 v2, v1  }
0x24: {  	s12 =	simm.s32 $0x3;
	s9 =	sand.u32 $0x1FC0, s8;
	s8 =	simm.s32 $0x761;
	v4 =	vld [tilespmem:s10+$0x480]  }
0x25: {  	s13 =	smulhi.u32 $0x38E38E39, s12;
	v2 =	vld [tilespmem:s9+$0x0];
	[tilespmem:s8+$0xFFFFFFE0] =	vst v1  }
0x26: {  	v0 =	vadd.f32 v3, v0;
	v1 =	vld [tilespmem:s1+$0x10]  }
0x27: {  	s12 =	smul.u32 $0x39, s12;
	s13 =	sshrl.u32 s13, $0x1;
	v3 =	vld [tilespmem:s6+$0x490]  }
0x28: {  	s13 =	smul.u32 $0xFFFFF700, s13;
	[tilespmem:s0+$0xFFFFFFF0] =	vst v0  }
0x29: {  	s12 =	sshrl.u32 s12, $0x3;
	v0 =	vld [tilespmem:s17+$0x20]  }
0x2a: {  	s16 =	simm.s32 $0x4;
	s12 =	sand.u32 $0x1FC0, s12;
	s13 =	sshra.s32 s13, $0x2;
	v2 =	vadd.f32 v4, v2;
	v6 =	vld [tilespmem:s15+$0x4A0]  }
0x2b: {  	s14 =	simm.s32 $0x7A2;
	s18 =	smulhi.u32 $0x38E38E39, s16;
	s13 =	sadd.s32 $0xC0, s13;
	v7 =	vld [tilespmem:s12+$0x0]  }
0x2c: {  	v8 =	vld [tilespmem:s13+$0x480];
	[tilespmem:s14+$0xFFFFFFE0] =	vst v2;
	v1 =	vadd.f32 v3, v1  }
0x2d: {  	s21 =	smul.u32 $0x39, s16;
	s18 =	sshrl.u32 s18, $0x1;
	v3 =	vld [tilespmem:s9+$0x10]  }
0x2e: {  	s18 =	smul.u32 $0xFFFFF700, s18;
	v5 =	vld [tilespmem:s10+$0x490];
	[tilespmem:s8+$0xFFFFFFF0] =	vst v1  }
0x2f: {  	s21 =	sshrl.u32 s21, $0x3;
	v0 =	vadd.f32 v6, v0;
	v1 =	vld [tilespmem:s1+$0x20]  }
0x30: {  	s31 =	sshra.s32 s18, $0x2;
	s18 =	sand.u32 $0x1FC0, s21;
	v4 =	vld [tilespmem:s6+$0x4A0]  }
0x31: {  	v6 =	vld [tilespmem:s18+$0x0];
	[tilespmem:s0+$0x0] =	vst v0  }
0x32: {  	v0 =	vld [tilespmem:s17+$0x30]  }
0x33: {  	s21 =	simm.s32 $0x500;
	v7 =	vadd.f32 v8, v7;
	v2 =	vld [tilespmem:s15+$0x4B0];
	s17 =	sadd.s32 $0x100, s31;
	s15 =	simm.s32 $0x7E3  }
.LBB2_2:
0x34: {  	p0 =	sne.s32 s21, $0x9800;
	s16 =	sadd.s32 $0x1, s16  }
0x35: {  	s24 =	smov.u32 s12;
	s12 =	smov.u32 s18;
	s25 =	smov.u32 s6  }
0x36: {  	v8 =	vld [tilespmem:s17+$0x480];
	[tilespmem:s15+$0xFFFFFFE0] =	vst v7;
	v7 =	vadd.f32 v5, v3;
	s6 =	smov.u32 s10;
	s10 =	smov.u32 s13;
	s18 =	smulhi.u32 $0x38E38E39, s16  }
0x37: {  	s13 =	smov.u32 s17;
	s17 =	smov.u32 s0;
	s0 =	smov.u32 s8;
	v3 =	vld [tilespmem:s24+$0x10]  }
0x38: {  	s8 =	smov.u32 s14;
	v5 =	vld [tilespmem:s10+$0x490];
	[tilespmem:s14+$0xFFFFFFF0] =	vst v7;
	v7 =	vadd.f32 v4, v1;
	s14 =	sshrl.u32 s18, $0x1;
	s18 =	smul.u32 $0x39, s16  }
.Ltmp0:
0x39: {  	v1 =	vld [tilespmem:s9+$0x20];
	v2 =	vadd.f32 v2, v0;
	(pc) =	sbr.rel @p0 .LBB2_2-.Ltmp0, $4  }
0x3a: {  	s26 =	smul.u32 $0xFFFFF700, s14;
	v4 =	vld [tilespmem:s6+$0x4A0];
	[tilespmem:s0+$0x0] =	vst v7;
	s14 =	smov.u32 s15  }
0x3b: {  	s18 =	sshrl.u32 s18, $0x3;
	v0 =	vld [tilespmem:s1+$0x30];
	[tilespmem:s17+$0x10] =	vst v2;
	s1 =	smov.u32 s9;
	s9 =	smov.u32 s24  }
0x3c: {  	s24 =	sshra.s32 s21, $0x2;
	v7 =	vadd.f32 v8, v6;
	s17 =	sshra.s32 s26, $0x2;
	s18 =	sand.u32 $0x1FC0, s18;
	v2 =	vld [tilespmem:s25+$0x4B0]  }
0x3d: {  	s15 =	sadd.s32 $0x41, s15;
	s21 =	sadd.s32 $0x100, s21;
	s17 =	sadd.s32 s24, s17;
	v6 =	vld [tilespmem:s18+$0x0]  }
0x3e: {  	v8 =	vld [tilespmem:s17+$0x480];
	_ =	sdelay $0x4  }
0x3f: {  	[tilespmem:s15+$0xFFFFFFE0] =	vst v7;
	v6 =	vadd.f32 v8, v6  }
0x40: {  	s16 =	sadd.s32 $0x41, s15;
	v7 =	vld [tilespmem:s12+$0x10]  }
0x41: {  	v42 =	vld [tilespmem:s13+$0x490];
	[tilespmem:s16+$0xFFFFFFE0] =	vst v6  }
0x42: {  	v6 =	vld [tilespmem:s18+$0x10]  }
0x43: {  	v9 =	vld [tilespmem:s17+$0x490]  }
0x44: {  	v3 =	vadd.f32 v5, v3;
	_ =	sdelay $0x1  }
0x45: {  	[tilespmem:s14+$0xFFFFFFF0] =	vst v3;
	v43 =	vadd.f32 v42, v7  }
0x46: {  	v44 =	vld [tilespmem:s9+$0x20]  }
0x47: {  	v45 =	vld [tilespmem:s10+$0x4A0];
	[tilespmem:s15+$0xFFFFFFF0] =	vst v43;
	v46 =	vadd.f32 v9, v6  }
0x48: {  	v47 =	vld [tilespmem:s12+$0x20]  }
0x49: {  	v48 =	vld [tilespmem:s13+$0x4A0];
	[tilespmem:s16+$0xFFFFFFF0] =	vst v46  }
0x4a: {  	v1 =	vadd.f32 v4, v1;
	v3 =	vld [tilespmem:s18+$0x20]  }
0x4b: {  	v49 =	vld [tilespmem:s17+$0x4A0]  }
0x4c: {  	[tilespmem:s8+$0x0] =	vst v1;
	v50 =	vadd.f32 v45, v44  }
0x4d: {  	v51 =	vld [tilespmem:s1+$0x30]  }
0x4e: {  	v52 =	vld [tilespmem:s6+$0x4B0];
	[tilespmem:s14+$0x0] =	vst v50;
	v53 =	vadd.f32 v48, v47  }
0x4f: {  	v54 =	vld [tilespmem:s9+$0x30]  }
0x50: {  	v55 =	vld [tilespmem:s10+$0x4B0];
	[tilespmem:s15+$0x0] =	vst v53;
	v56 =	vadd.f32 v49, v3  }
0x51: {  	v57 =	vld [tilespmem:s12+$0x30]  }
0x52: {  	v58 =	vld [tilespmem:s13+$0x4B0];
	[tilespmem:s16+$0x0] =	vst v56  }
0x53: {  	v1 =	vld [tilespmem:s18+$0x30]  }
0x54: {  	v59 =	vld [tilespmem:s17+$0x4B0]  }
0x55: {  	v0 =	vadd.f32 v2, v0  }
0x56: {  	v60 =	vadd.f32 v52, v51  }
0x57: {  	[tilespmem:s0+$0x10] =	vst v0;
	v61 =	vadd.f32 v55, v54  }
0x58: {  	[tilespmem:s8+$0x10] =	vst v60;
	v62 =	vadd.f32 v58, v57  }
0x59: {  	[tilespmem:s14+$0x10] =	vst v61;
	v63 =	vadd.f32 v59, v1  }
0x5a: {  	[tilespmem:s15+$0x10] =	vst v62  }
0x5b: {  	[tilespmem:s16+$0x10] =	vst v63  }
0x5c: {  	s26 =	simm.s32 $0x2E00;
	s0 =	rddreg [dreg:$0x5]  }
0x5d: {  	[tilespmem:s26], [sflag:$0x3] =	stream.linear.gather [hbm4b:s0+s28], $0x1000, $0x38;
	[tilespmem:$0x16E00] =	vst v63  }
0x5e: {  	s31 =	simm.s32 $0x4E00;
	s29 =	simm.s32 $0x0;
	s30 =	rddreg [dreg:$0x6]  }
0x5f: {  	[tilespmem:s31], [sflag:$0x3] =	stream.linear.gather [hbm4b:s30+s28], $0x1000, $0x38;
	[tilespmem:$0x16E00] =	vst v63  }
.LBB2_4:
0x60: {  	s31 =	sshll.u32 s29, $0x1  }
0x61: {  	s0 =	sadd.s32 s11, s31  }
0x62: {  	s30 =	sadd.s32 $0x1, s0  }
0x63: {  	s1 =	sshll.u32 s30, $0x6  }
0x64: {  	s1 =	sand.u32 $0x1FFFFE00, s1  }
0x65: {  	s2 =	simm.s32 $0x3E00;
	s6 =	sadd.s32 s4, s1  }
0x66: {  	[tilespmem:s2], [sflag:$0x4] =	stream.linear.gather [hbm4b:s6+s3], $0x1000, $0x38;
	[tilespmem:$0x16E00] =	vst v63  }
0x67: {  	s13 =	simm.s32 $0x5E00;
	s1 =	sadd.s32 s5, s1  }
0x68: {  	[tilespmem:s13], [sflag:$0x4] =	stream.linear.gather [hbm4b:s1+s3], $0x1000, $0x38;
	[tilespmem:$0x16E00] =	vst v63  }
0x69: {  	_ =	swait.ge [sflag:s19], $0x1000  }
0x6a: {  	[sflag:s19] =	ssyncset.done $0x0  }
0x6b: {  	[sflag:s19] =	ssyncadd.s32 $0xFFFFF000  }
0x6c: {  	_ =	swait.ge [sflag:s19], $0x1000  }
0x6d: {  	p0 =	seq.s32 s29, $0x0;
	[sflag:s19] =	ssyncset.done $0x0  }
0x6e: {  	s1 =	simm.s32 @!p0 $0x1;
	[sflag:s19] =	ssyncadd.s32 $0xFFFFF000  }
0x6f: {  	_ =	swait.ge @!p0 [sflag:s1], $0x8000  }
0x70: {  	[sflag:s1] =	ssyncset.done @!p0 $0x0  }
0x71: {  	s14 =	simm.s32 $0x2E00;
	[sflag:s1] =	ssyncadd.s32 @!p0 $0xFFFF8000  }
0x72: {  	v0 =	vld [tilespmem:s14+$0x0]  }
0x73: {  	s15 =	simm.s32 $0x4E00  }
0x74: {  	v1 =	vld [tilespmem:s15+$0x0];
	_ =	sdelay $0x2  }
0x75: {  	v0 =	vmul.u32 $0x9, v0;
	_ =	sdelay $0x1  }
0x76: {  	s17 =	simm.s32 $0x2E10;
	s16 =	sshll.u32 s0, $0x3;
	v0 =	vadd.s32 v1, v0  }
0x77: {  	s1 =	sand.u32 $0x30, s16;
	v1 =	vld [tilespmem:s17+$0x0];
	v0 =	vmul.u32 $0x41, v0  }
0x78: {  	s18 =	simm.s32 $0x4E10;
	v3 =	vmov s1  }
0x79: {  	v4 =	vadd.s32 v3, v0;
	v0 =	vld [tilespmem:s18+$0x0];
	_ =	sdelay $0x2  }
0x7a: {  	v1 =	vmul.u32 $0x9, v1;
	_ =	sdelay $0x1  }
0x7b: {  	v2 =	vld.idx.msk [tilespmem:v4+s20+$0x0], $0xffff;
	v0 =	vadd.s32 v0, v1  }
0x7c: {  	s21 =	simm.s32 $0x2E20;
	v1 =	vadd.s32 $0x1, v4;
	v0 =	vmul.u32 $0x41, v0  }
0x7d: {  	v6 =	vld [tilespmem:s21+$0x0]  }
0x7e: {  	s23 =	sand.u32 $0x70, s28;
	s24 =	sand.u32 $0x7C00, s28;
	s8 =	simm.s32 $0x4E20;
	v5 =	vadd.s32 v3, v0  }
0x7f: {  	s12 =	sor.u32 s23, s24;
	v0 =	vld [tilespmem:s8+$0x0]  }
0x80: {  	[tilespmem:s12+$0x6E00] =	vst v2  }
0x81: {  	v1 =	vld.idx.msk [tilespmem:v1+s20+$0x0], $0xffff  }
0x82: {  	v6 =	vmul.u32 $0x9, v6;
	v2 =	vadd.s32 $0x2, v4  }
0x83: {  	v7 =	vld.idx.msk [tilespmem:v5+s20+$0x0], $0xffff  }
0x84: {  	v0 =	vadd.s32 v0, v6;
	v6 =	vadd.s32 $0x1, v5  }
0x85: {  	s25 =	simm.s32 $0x10;
	s26 =	simm.s32 $0x2E30;
	s14 =	simm.s32 $0x80;
	v0 =	vmul.u32 $0x41, v0  }
0x86: {  	v8 =	vld [tilespmem:s26+$0x0];
	s1 =	sand.u32 $0x70, s25;
	s2 =	sand.u32 $0x7C00, s14;
	[tilespmem:s12+$0x6E80] =	vst v1  }
0x87: {  	s7 =	simm.s32 $0x4E30;
	s9 =	sor.u32 s1, s2;
	v0 =	vadd.s32 v3, v0;
	v1 =	vld.idx.msk [tilespmem:v2+s20+$0x0], $0xffff  }
0x88: {  	v2 =	vld [tilespmem:s7+$0x0];
	[tilespmem:s9+$0x6E00] =	vst v7;
	v7 =	vadd.s32 $0x3, v4  }
0x89: {  	v6 =	vld.idx.msk [tilespmem:v6+s20+$0x0], $0xffff;
	_ =	sdelay $0x1  }
0x8a: {  	v8 =	vmul.u32 $0x9, v8;
	v9 =	vadd.s32 $0x2, v5  }
0x8b: {  	v10 =	vld.idx.msk [tilespmem:v0+s20+$0x0], $0xffff;
	[tilespmem:s12+$0x6F00] =	vst v1  }
0x8c: {  	v1 =	vadd.s32 v2, v8;
	v2 =	vadd.s32 $0x1, v0;
	v7 =	vld.idx.msk [tilespmem:v7+s20+$0x0], $0xffff  }
0x8d: {  	s10 =	simm.s32 $0x2E40;
	s13 =	simm.s32 $0x20;
	s1 =	simm.s32 $0x100;
	v1 =	vmul.u32 $0x41, v1;
	[tilespmem:s9+$0x6E80] =	vst v6;
	v6 =	vadd.s32 $0x4, v4  }
0x8e: {  	s6 =	sand.u32 $0x70, s13;
	s15 =	sand.u32 $0x7C00, s1;
	v8 =	vld [tilespmem:s10+$0x0]  }
0x8f: {  	s15 =	sor.u32 s6, s15;
	s10 =	simm.s32 $0x4E40;
	v9 =	vld.idx.msk [tilespmem:v9+s20+$0x0], $0xffff;
	v1 =	vadd.s32 v3, v1  }
0x90: {  	v11 =	vld [tilespmem:s10+$0x0];
	[tilespmem:s15+$0x6E00] =	vst v10;
	v10 =	vadd.s32 $0x3, v5  }
0x91: {  	v2 =	vld.idx.msk [tilespmem:v2+s20+$0x0], $0xffff;
	[tilespmem:s12+$0x6F80] =	vst v7  }
0x92: {  	v7 =	vadd.s32 $0x2, v0;
	v6 =	vld.idx.msk [tilespmem:v6+s20+$0x0], $0xffff  }
0x93: {  	v12 =	vadd.s32 $0x5, v4;
	v8 =	vmul.u32 $0x9, v8  }
0x94: {  	v13 =	vld.idx.msk [tilespmem:v1+s20+$0x0], $0xffff;
	[tilespmem:s9+$0x6F00] =	vst v9  }
0x95: {  	s16 =	simm.s32 $0x2E50;
	v8 =	vadd.s32 v11, v8;
	v9 =	vld.idx.msk [tilespmem:v10+s20+$0x0], $0xffff;
	v10 =	vadd.s32 $0x1, v1  }
0x96: {  	s17 =	simm.s32 $0x30;
	v14 =	vadd.s32 $0x4, v5;
	v11 =	vld [tilespmem:s16+$0x0];
	s16 =	simm.s32 $0x180;
	v8 =	vmul.u32 $0x41, v8;
	[tilespmem:s15+$0x6E80] =	vst v2  }
0x97: {  	s18 =	sand.u32 $0x70, s17;
	s21 =	sand.u32 $0x7C00, s16;
	v7 =	vld.idx.msk [tilespmem:v7+s20+$0x0], $0xffff;
	[tilespmem:s12+$0x7000] =	vst v6  }
0x98: {  	s23 =	simm.s32 $0x4E50;
	s6 =	sor.u32 s18, s21;
	v2 =	vadd.s32 v3, v8;
	v6 =	vld.idx.msk [tilespmem:v12+s20+$0x0], $0xffff  }
0x99: {  	v8 =	vadd.s32 $0x3, v0;
	v12 =	vld [tilespmem:s23+$0x0];
	[tilespmem:s6+$0x6E00] =	vst v13  }
0x9a: {  	v13 =	vadd.s32 $0x6, v4;
	v10 =	vld.idx.msk [tilespmem:v10+s20+$0x0], $0xffff;
	[tilespmem:s9+$0x6F80] =	vst v9  }
0x9b: {  	s17 =	simm.s32 $0x4E60;
	v9 =	vld.idx.msk [tilespmem:v14+s20+$0x0], $0xffff  }
0x9c: {  	v16 =	vld [tilespmem:s17+$0x0];
	v11 =	vmul.u32 $0x9, v11;
	v14 =	vadd.s32 $0x2, v1  }
0x9d: {  	v15 =	vld.idx.msk [tilespmem:v2+s20+$0x0], $0xffff;
	[tilespmem:s15+$0x6F00] =	vst v7;
	v7 =	vadd.s32 $0x5, v5  }
0x9e: {  	v8 =	vld.idx.msk [tilespmem:v8+s20+$0x0], $0xffff;
	[tilespmem:s12+$0x7080] =	vst v6;
	v6 =	vadd.s32 v12, v11;
	v11 =	vadd.s32 $0x1, v2  }
0x9f: {  	s24 =	simm.s32 $0x2E60;
	s25 =	simm.s32 $0x40;
	s8 =	simm.s32 $0x200;
	v12 =	vld.idx.msk [tilespmem:v13+s20+$0x0], $0xffff;
	[tilespmem:s6+$0x6E80] =	vst v10;
	v10 =	vadd.s32 $0x4, v0  }
0xa0: {  	s13 =	sand.u32 $0x7C00, s8;
	s10 =	sand.u32 $0x70, s25;
	v13 =	vld [tilespmem:s24+$0x0];
	v6 =	vmul.u32 $0x41, v6;
	[tilespmem:s9+$0x7000] =	vst v9;
	v9 =	vadd.s32 $0x7, v4  }
0xa1: {  	s10 =	sor.u32 s10, s13;
	v14 =	vld.idx.msk [tilespmem:v14+s20+$0x0], $0xffff  }
0xa2: {  	[tilespmem:s10+$0x6E00] =	vst v15;
	v4 =	vadd.s32 v3, v6;
	v7 =	vld.idx.msk [tilespmem:v7+s20+$0x0], $0xffff  }
0xa3: {  	v6 =	vadd.s32 $0x3, v1;
	[tilespmem:s15+$0x6F80] =	vst v8;
	v11 =	vld.idx.msk [tilespmem:v11+s20+$0x0], $0xffff  }
0xa4: {  	v8 =	vadd.s32 $0x6, v5;
	v10 =	vld.idx.msk [tilespmem:v10+s20+$0x0], $0xffff;
	[tilespmem:s12+$0x7100] =	vst v12  }
0xa5: {  	s18 =	simm.s32 $0x2E70;
	v15 =	vadd.s32 $0x2, v2;
	v17 =	vld.idx.msk [tilespmem:v9+s20+$0x0], $0xffff  }
0xa6: {  	v18 =	vadd.s32 $0x5, v0;
	v9 =	vmul.u32 $0x9, v13;
	[tilespmem:s6+$0x6F00] =	vst v14;
	v13 =	vld [tilespmem:s18+$0x0]  }
0xa7: {  	s26 =	sand.u32 $0x7, s28;
	s17 =	simm.s32 $0x70;
	v12 =	vld.idx.msk [tilespmem:v4+s20+$0x0], $0xffff;
	[tilespmem:s9+$0x7080] =	vst v7  }
0xa8: {  	s13 =	simm.s32 $0x60;
	s21 =	simm.s32 $0x50;
	s24 =	sshll.u32 s26, $0x4;
	v14 =	vadd.s32 $0x1, v4;
	v6 =	vld.idx.msk [tilespmem:v6+s20+$0x0], $0xffff;
	v9 =	vadd.s32 v16, v9;
	[tilespmem:s10+$0x6E80] =	vst v11  }
0xa9: {  	s21 =	sand.u32 $0x70, s21;
	s24 =	sadd.s32 $0x0, s24;
	s12 =	simm.s32 $0x280;
	v7 =	vld.idx.msk [tilespmem:v8+s20+$0x0], $0xffff;
	v9 =	vmul.u32 $0x41, v9;
	[tilespmem:s15+$0x7000] =	vst v10;
	v10 =	vadd.s32 $0x4, v1  }
0xaa: {  	s26 =	simm.s32 $0x80;
	s23 =	sor.u32 $0x380, s24;
	s25 =	sand.u32 $0x7C00, s12;
	v8 =	vadd.s32 $0x7, v5;
	v11 =	vld.idx.msk [tilespmem:v15+s20+$0x0], $0xffff  }
0xab: {  	s24 =	sor.u32 s21, s25;
	s21 =	simm.s32 $0x4E70;
	s25 =	simm.s32 $0x0;
	v5 =	vadd.s32 v3, v9;
	v9 =	vld.idx.msk [tilespmem:v18+s20+$0x0], $0xffff;
	[tilespmem:s23+$0x6E00] =	vst v17  }
.LBB2_5:
0xac: {  	p1 =	sne.s32 s26, $0xFF0;
	v15 =	vld [tilespmem:s21+$0x0];
	[tilespmem:s24+$0x6E00] =	vst v12;
	v16 =	vadd.s32 $0x3, v2;
	s23 =	smov.u32 s1;
	s1 =	smov.u32 s16  }
0xad: {  	v18 =	vadd.s32 $0x6, v0;
	s16 =	smov.u32 s8;
	s8 =	smov.u32 s12;
	s2 =	smov.u32 s13;
	v17 =	vld.idx.msk [tilespmem:v14+s20+$0x0], $0xffff;
	[tilespmem:s6+$0x6F80] =	vst v6  }
0xae: {  	s13 =	smov.u32 s17;
	s17 =	smov.u32 s26;
	v19 =	vld.idx.msk [tilespmem:v10+s20+$0x0], $0xffff;
	[tilespmem:s9+$0x7100] =	vst v7;
	s9 =	smov.u32 s15  }
0xaf: {  	v20 =	vadd.s32 $0x2, v4;
	s15 =	smov.u32 s6;
	s6 =	smov.u32 s10;
	s10 =	smov.u32 s24;
	v21 =	vld.idx.msk [tilespmem:v8+s20+$0x0], $0xffff  }
0xb0: {  	v22 =	vadd.s32 $0x5, v1;
	s25 =	sadd.s32 $0x1, s25;
	v7 =	vmul.u32 $0x9, v13;
	v12 =	vld.idx.msk [tilespmem:v5+s20+$0x0], $0xffff;
	[tilespmem:s6+$0x6F00] =	vst v11  }
.Ltmp1:
0xb1: {  	s24 =	sand.u32 $0x7, s25;
	v6 =	vld.idx.msk [tilespmem:v16+s20+$0x0], $0xffff;
	[tilespmem:s9+$0x7080] =	vst v9;
	(pc) =	sbr.rel @p1 .LBB2_5-.Ltmp1, $4  }
0xb2: {  	s18 =	sadd.s32 $0x10, s18;
	v14 =	vadd.s32 $0x1, v5;
	s24 =	sshll.u32 s24, $0x4;
	v8 =	vadd.s32 v15, v7;
	v7 =	vld.idx.msk [tilespmem:v18+s20+$0x0], $0xffff  }
0xb3: {  	s12 =	sadd.s32 $0x80, s12;
	v10 =	vadd.s32 $0x4, v2;
	s24 =	sadd.s32 s24, s14;
	s14 =	smov.u32 s23;
	v9 =	vmul.u32 $0x41, v8;
	v13 =	vld [tilespmem:s18+$0x0];
	[tilespmem:s10+$0x6E80] =	vst v17  }
0xb4: {  	s2 =	sand.u32 $0x70, s2;
	s23 =	sand.u32 $0x7C00, s12;
	s7 =	sor.u32 $0x380, s24;
	v8 =	vadd.s32 $0x7, v0;
	v0 =	vmovc v1;
	v1 =	vmovc v2;
	v2 =	vmov v4;
	v4 =	vmov v5;
	v11 =	vld.idx.msk [tilespmem:v20+s20+$0x0], $0xffff;
	[tilespmem:s15+$0x7000] =	vst v19  }
0xb5: {  	s26 =	sadd.s32 $0x10, s26;
	s21 =	sadd.s32 $0x10, s21;
	s24 =	sor.u32 s2, s23;
	v5 =	vadd.s32 v3, v9;
	v9 =	vld.idx.msk [tilespmem:v22+s20+$0x0], $0xffff;
	[tilespmem:s7+$0x6E00] =	vst v21  }
0xb6: {  	v15 =	vld [tilespmem:s21+$0x0];
	_ =	sdelay $0x2  }
0xb7: {  	v13 =	vmul.u32 $0x9, v13;
	_ =	sdelay $0x1  }
0xb8: {  	v13 =	vadd.s32 v15, v13  }
0xb9: {  	v13 =	vmul.u32 $0x41, v13;
	_ =	sdelay $0x1  }
0xba: {  	v3 =	vadd.s32 v3, v13;
	_ =	sdelay $0x3  }
0xbb: {  	v13 =	vld.idx.msk [tilespmem:v5+s20+$0x0], $0xffff  }
0xbc: {  	v15 =	vadd.s32 $0x1, v5;
	v16 =	vld.idx.msk [tilespmem:v3+s20+$0x0], $0xffff  }
0xbd: {  	s26 =	sadd.s32 $0x80, s12;
	v17 =	vadd.s32 $0x1, v3  }
0xbe: {  	s2 =	sand.u32 $0x70, s13;
	s7 =	sand.u32 $0x7C00, s26;
	s13 =	sadd.s32 $0x80, s26  }
0xbf: {  	[tilespmem:s24+$0x6E00] =	vst v12;
	s18 =	sor.u32 s2, s7;
	s7 =	sand.u32 $0x70, s17;
	s17 =	sand.u32 $0x7C00, s13  }
0xc0: {  	v12 =	vld.idx.msk [tilespmem:v14+s20+$0x0], $0xffff;
	s17 =	sor.u32 s7, s17;
	[tilespmem:s18+$0x6E00] =	vst v13  }
0xc1: {  	v13 =	vadd.s32 $0x2, v4;
	v14 =	vld.idx.msk [tilespmem:v15+s20+$0x0], $0xffff;
	[tilespmem:s17+$0x6E00] =	vst v16  }
0xc2: {  	v15 =	vadd.s32 $0x2, v5;
	v16 =	vld.idx.msk [tilespmem:v17+s20+$0x0], $0xffff  }
0xc3: {  	v58 =	vadd.s32 $0x2, v3;
	_ =	sdelay $0x1  }
0xc4: {  	[tilespmem:s24+$0x6E80] =	vst v12  }
0xc5: {  	v12 =	vadd.s32 $0x3, v2;
	v13 =	vld.idx.msk [tilespmem:v13+s20+$0x0], $0xffff;
	[tilespmem:s18+$0x6E80] =	vst v14  }
0xc6: {  	v14 =	vadd.s32 $0x3, v4;
	v15 =	vld.idx.msk [tilespmem:v15+s20+$0x0], $0xffff;
	[tilespmem:s17+$0x6E80] =	vst v16  }
0xc7: {  	v59 =	vadd.s32 $0x3, v5;
	v17 =	vld.idx.msk [tilespmem:v58+s20+$0x0], $0xffff  }
0xc8: {  	v18 =	vadd.s32 $0x3, v3  }
0xc9: {  	[tilespmem:s10+$0x6F00] =	vst v11  }
0xca: {  	v11 =	vld.idx.msk [tilespmem:v12+s20+$0x0], $0xffff;
	[tilespmem:s24+$0x6F00] =	vst v13  }
0xcb: {  	v12 =	vadd.s32 $0x4, v2;
	v13 =	vld.idx.msk [tilespmem:v14+s20+$0x0], $0xffff;
	[tilespmem:s18+$0x6F00] =	vst v15  }
0xcc: {  	v14 =	vadd.s32 $0x4, v4;
	v15 =	vld.idx.msk [tilespmem:v59+s20+$0x0], $0xffff;
	[tilespmem:s17+$0x6F00] =	vst v17  }
0xcd: {  	[tilespmem:s6+$0x6F80] =	vst v6;
	v6 =	vadd.s32 $0x4, v5;
	v60 =	vld.idx.msk [tilespmem:v18+s20+$0x0], $0xffff  }
0xce: {  	[tilespmem:s9+$0x7100] =	vst v7;
	v7 =	vadd.s32 $0x4, v3  }
0xcf: {  	v10 =	vld.idx.msk [tilespmem:v10+s20+$0x0], $0xffff;
	[tilespmem:s10+$0x6F80] =	vst v11  }
0xd0: {  	v11 =	vadd.s32 $0x5, v1;
	v12 =	vld.idx.msk [tilespmem:v12+s20+$0x0], $0xffff;
	[tilespmem:s24+$0x6F80] =	vst v13  }
0xd1: {  	v13 =	vadd.s32 $0x5, v2;
	v14 =	vld.idx.msk [tilespmem:v14+s20+$0x0], $0xffff;
	[tilespmem:s18+$0x6F80] =	vst v15  }
0xd2: {  	v15 =	vadd.s32 $0x5, v4;
	v6 =	vld.idx.msk [tilespmem:v6+s20+$0x0], $0xffff;
	[tilespmem:s17+$0x6F80] =	vst v60  }
0xd3: {  	[tilespmem:s15+$0x7080] =	vst v9;
	v9 =	vadd.s32 $0x5, v5;
	v7 =	vld.idx.msk [tilespmem:v7+s20+$0x0], $0xffff  }
0xd4: {  	s21 =	sadd.s32 $0x1, s25;
	v8 =	vld.idx.msk [tilespmem:v8+s20+$0x0], $0xffff;
	[tilespmem:s6+$0x7000] =	vst v10;
	v10 =	vadd.s32 $0x5, v3  }
0xd5: {  	v61 =	vadd.s32 $0x6, v0;
	s23 =	sand.u32 $0x7, s21;
	v11 =	vld.idx.msk [tilespmem:v11+s20+$0x0], $0xffff;
	[tilespmem:s10+$0x7000] =	vst v12  }
0xd6: {  	s7 =	sshll.u32 s23, $0x4;
	v12 =	vadd.s32 $0x6, v1;
	v13 =	vld.idx.msk [tilespmem:v13+s20+$0x0], $0xffff;
	[tilespmem:s24+$0x7000] =	vst v14  }
0xd7: {  	s7 =	sadd.s32 s7, s14;
	v14 =	vadd.s32 $0x6, v2;
	v15 =	vld.idx.msk [tilespmem:v15+s20+$0x0], $0xffff;
	[tilespmem:s18+$0x7000] =	vst v6  }
0xd8: {  	s7 =	sor.u32 $0x380, s7;
	v6 =	vadd.s32 $0x6, v4;
	v9 =	vld.idx.msk [tilespmem:v9+s20+$0x0], $0xffff;
	[tilespmem:s17+$0x7000] =	vst v7  }
0xd9: {  	[tilespmem:s7+$0x6E00] =	vst v8;
	v7 =	vadd.s32 $0x6, v5;
	v8 =	vld.idx.msk [tilespmem:v10+s20+$0x0], $0xffff  }
0xda: {  	[tilespmem:s6+$0x7080] =	vst v11;
	v11 =	vadd.s32 $0x6, v3;
	v10 =	vld.idx.msk [tilespmem:v61+s20+$0x0], $0xffff  }
0xdb: {  	v0 =	vadd.s32 $0x7, v0;
	v12 =	vld.idx.msk [tilespmem:v12+s20+$0x0], $0xffff;
	[tilespmem:s10+$0x7080] =	vst v13  }
0xdc: {  	v1 =	vadd.s32 $0x7, v1;
	v13 =	vld.idx.msk [tilespmem:v14+s20+$0x0], $0xffff;
	[tilespmem:s24+$0x7080] =	vst v15  }
0xdd: {  	s2 =	sadd.s32 $0x1, s21;
	v2 =	vadd.s32 $0x7, v2;
	v6 =	vld.idx.msk [tilespmem:v6+s20+$0x0], $0xffff;
	[tilespmem:s18+$0x7080] =	vst v9  }
0xde: {  	s25 =	sand.u32 $0x7, s2;
	v4 =	vadd.s32 $0x7, v4;
	v7 =	vld.idx.msk [tilespmem:v7+s20+$0x0], $0xffff;
	[tilespmem:s17+$0x7080] =	vst v8  }
0xdf: {  	s2 =	sadd.s32 $0x1, s2;
	s7 =	sshll.u32 s25, $0x4;
	v5 =	vadd.s32 $0x7, v5;
	[tilespmem:s15+$0x7100] =	vst v10;
	v8 =	vld.idx.msk [tilespmem:v11+s20+$0x0], $0xffff  }
0xe0: {  	s9 =	sand.u32 $0x7, s2;
	s1 =	sadd.s32 s7, s1;
	v3 =	vadd.s32 $0x7, v3;
	[tilespmem:s6+$0x7100] =	vst v12;
	v0 =	vld.idx.msk [tilespmem:v0+s20+$0x0], $0xffff  }
0xe1: {  	s2 =	sadd.s32 $0x1, s2;
	s1 =	sor.u32 $0x380, s1;
	s6 =	sshll.u32 s9, $0x4;
	v1 =	vld.idx.msk [tilespmem:v1+s20+$0x0], $0xffff;
	[tilespmem:s10+$0x7100] =	vst v13  }
0xe2: {  	s6 =	sadd.s32 s6, s16;
	s10 =	sand.u32 $0x7, s2;
	s2 =	sadd.s32 $0x1, s2;
	v2 =	vld.idx.msk [tilespmem:v2+s20+$0x0], $0xffff;
	[tilespmem:s24+$0x7100] =	vst v6  }
0xe3: {  	s7 =	sshll.u32 s10, $0x4;
	s14 =	sand.u32 $0x7, s2;
	s2 =	sadd.s32 $0x1, s2;
	v4 =	vld.idx.msk [tilespmem:v4+s20+$0x0], $0xffff;
	[tilespmem:s18+$0x7100] =	vst v7  }
0xe4: {  	s6 =	sor.u32 $0x380, s6;
	s7 =	sadd.s32 s7, s8;
	s16 =	sand.u32 $0x7, s2;
	v5 =	vld.idx.msk [tilespmem:v5+s20+$0x0], $0xffff;
	[tilespmem:s17+$0x7100] =	vst v8  }
0xe5: {  	s2 =	sadd.s32 $0x1, s2;
	s7 =	sor.u32 $0x380, s7;
	s15 =	sshll.u32 s14, $0x4;
	[tilespmem:s1+$0x6E00] =	vst v0;
	v0 =	vld.idx.msk [tilespmem:v3+s20+$0x0], $0xffff  }
0xe6: {  	[tilespmem:s6+$0x6E00] =	vst v1;
	s2 =	sand.u32 $0x7, s2;
	s1 =	sadd.s32 s15, s12;
	s17 =	sshll.u32 s16, $0x4  }
0xe7: {  	s2 =	sshll.u32 s2, $0x4;
	[tilespmem:s7+$0x6E00] =	vst v2;
	s1 =	sor.u32 $0x380, s1;
	s6 =	sadd.s32 s17, s26  }
0xe8: {  	s2 =	sadd.s32 s2, s13;
	[tilespmem:s1+$0x6E00] =	vst v4;
	s18 =	sor.u32 $0x380, s6  }
0xe9: {  	s0 =	sshll.u32 s0, $0xC;
	s23 =	rddreg [dreg:$0x1];
	s21 =	sor.u32 $0x380, s2;
	[tilespmem:s18+$0x6E00] =	vst v5  }
0xea: {  	s0 =	sadd.s32 s23, s0;
	s24 =	simm.s32 $0x6E00;
	[tilespmem:s21+$0x6E00] =	vst v0  }
0xeb: {  	[hbm4b:s0+s3] =	stream.linear.scatter [tilespmem:s24], [sflag:$0x1], $0x8000, $0x38;
	[tilespmem:$0x16E00] =	vst v63  }
0xec: {  	p1 =	seq.s32 s29, $0x18;
	s0 =	rddreg [dreg:$0x7]  }
0xed: {  	s0 =	sadd.s32 @!p1 s31, s0  }
0xee: {  	s0 =	sshll.u32 @!p1 s0, $0x6  }
0xef: {  	s0 =	sand.u32 @!p1 $0x1FFFFE00, s0  }
0xf0: {  	s2 =	simm.s32 @!p1 $0x0;
	s6 =	simm.s32 @!p1 $0x2E00;
	s1 =	sadd.s32 @!p1 s4, s0  }
0xf1: {  	[tilespmem:s6], [sflag:$0x3] =	stream.linear.gather @!p1 [hbm4b:s1+s2], $0x1000, $0x38;
	[tilespmem:$0x16E00] =	vst v63  }
0xf2: {  	s0 =	sadd.s32 @!p1 s5, s0;
	s1 =	simm.s32 @!p1 $0x4E00  }
0xf3: {  	[tilespmem:s1], [sflag:$0x3] =	stream.linear.gather @!p1 [hbm4b:s0+s2], $0x1000, $0x38;
	[tilespmem:$0x16E00] =	vst v63  }
0xf4: {  	_ =	swait.ge [sflag:s22], $0x1000  }
0xf5: {  	[sflag:s22] =	ssyncset.done $0x0  }
0xf6: {  	[sflag:s22] =	ssyncadd.s32 $0xFFFFF000  }
0xf7: {  	_ =	swait.ge [sflag:s22], $0x1000  }
0xf8: {  	[sflag:s22] =	ssyncset.done $0x0  }
0xf9: {  	s0 =	simm.s32 @!p0 $0x2;
	[sflag:s22] =	ssyncadd.s32 $0xFFFFF000  }
0xfa: {  	_ =	swait.ge @!p0 [sflag:s0], $0x8000  }
0xfb: {  	[sflag:s0] =	ssyncset.done @!p0 $0x0  }
0xfc: {  	s25 =	simm.s32 $0x3E00;
	[sflag:s0] =	ssyncadd.s32 @!p0 $0xFFFF8000  }
0xfd: {  	v0 =	vld [tilespmem:s25+$0x0]  }
0xfe: {  	s26 =	simm.s32 $0x5E00  }
0xff: {  	v1 =	vld [tilespmem:s26+$0x0];
	_ =	sdelay $0x2  }
0x100: {  	v0 =	vmul.u32 $0x9, v0;
	_ =	sdelay $0x1  }
0x101: {  	s1 =	sshll.u32 s30, $0x3;
	s2 =	simm.s32 $0x3E10;
	v0 =	vadd.s32 v1, v0  }
0x102: {  	s0 =	sand.u32 $0x38, s1;
	v1 =	vld [tilespmem:s2+$0x0];
	v0 =	vmul.u32 $0x41, v0  }
0x103: {  	s6 =	simm.s32 $0x5E10;
	v3 =	vmov s0  }
0x104: {  	v4 =	vadd.s32 v3, v0;
	v0 =	vld [tilespmem:s6+$0x0];
	_ =	sdelay $0x2  }
0x105: {  	v1 =	vmul.u32 $0x9, v1;
	_ =	sdelay $0x1  }
0x106: {  	v2 =	vld.idx.msk [tilespmem:v4+s20+$0x0], $0xffff;
	v0 =	vadd.s32 v0, v1  }
0x107: {  	s7 =	simm.s32 $0x3E20;
	v1 =	vadd.s32 $0x1, v4;
	v0 =	vmul.u32 $0x41, v0  }
0x108: {  	s1 =	simm.s32 $0x0;
	v6 =	vld [tilespmem:s7+$0x0]  }
0x109: {  	s10 =	simm.s32 $0x5E20;
	s8 =	sand.u32 $0x70, s1;
	s9 =	sand.u32 $0x7C00, s1;
	v5 =	vadd.s32 v3, v0  }
0x10a: {  	s12 =	sor.u32 s8, s9;
	v0 =	vld [tilespmem:s10+$0x0]  }
0x10b: {  	[tilespmem:s12+$0xEE00] =	vst v2  }
0x10c: {  	v1 =	vld.idx.msk [tilespmem:v1+s20+$0x0], $0xffff  }
0x10d: {  	v6 =	vmul.u32 $0x9, v6;
	v2 =	vadd.s32 $0x2, v4  }
0x10e: {  	v7 =	vld.idx.msk [tilespmem:v5+s20+$0x0], $0xffff  }
0x10f: {  	v0 =	vadd.s32 v0, v6;
	v6 =	vadd.s32 $0x1, v5  }
0x110: {  	s14 =	simm.s32 $0x80;
	s13 =	simm.s32 $0x10;
	s15 =	simm.s32 $0x3E30;
	v0 =	vmul.u32 $0x41, v0  }
0x111: {  	s16 =	sand.u32 $0x7C00, s14;
	v8 =	vld [tilespmem:s15+$0x0];
	s0 =	sand.u32 $0x70, s13;
	[tilespmem:s12+$0xEE80] =	vst v1  }
0x112: {  	s17 =	simm.s32 $0x5E30;
	s9 =	sor.u32 s0, s16;
	v0 =	vadd.s32 v3, v0;
	v1 =	vld.idx.msk [tilespmem:v2+s20+$0x0], $0xffff  }
0x113: {  	v2 =	vld [tilespmem:s17+$0x0];
	[tilespmem:s9+$0xEE00] =	vst v7;
	v7 =	vadd.s32 $0x3, v4  }
0x114: {  	v6 =	vld.idx.msk [tilespmem:v6+s20+$0x0], $0xffff;
	_ =	sdelay $0x1  }
0x115: {  	v8 =	vmul.u32 $0x9, v8;
	v9 =	vadd.s32 $0x2, v5  }
0x116: {  	v10 =	vld.idx.msk [tilespmem:v0+s20+$0x0], $0xffff;
	[tilespmem:s12+$0xEF00] =	vst v1  }
0x117: {  	v1 =	vadd.s32 v2, v8;
	v2 =	vadd.s32 $0x1, v0;
	v7 =	vld.idx.msk [tilespmem:v7+s20+$0x0], $0xffff  }
0x118: {  	s18 =	simm.s32 $0x3E40;
	s21 =	simm.s32 $0x20;
	s0 =	simm.s32 $0x100;
	v1 =	vmul.u32 $0x41, v1;
	[tilespmem:s9+$0xEE80] =	vst v6;
	v6 =	vadd.s32 $0x4, v4  }
0x119: {  	s23 =	sand.u32 $0x7C00, s0;
	s2 =	sand.u32 $0x70, s21;
	v8 =	vld [tilespmem:s18+$0x0]  }
0x11a: {  	s24 =	simm.s32 $0x5E40;
	s15 =	sor.u32 s2, s23;
	v9 =	vld.idx.msk [tilespmem:v9+s20+$0x0], $0xffff;
	v1 =	vadd.s32 v3, v1  }
0x11b: {  	v11 =	vld [tilespmem:s24+$0x0];
	[tilespmem:s15+$0xEE00] =	vst v10;
	v10 =	vadd.s32 $0x3, v5  }
0x11c: {  	v2 =	vld.idx.msk [tilespmem:v2+s20+$0x0], $0xffff;
	[tilespmem:s12+$0xEF80] =	vst v7  }
0x11d: {  	v7 =	vadd.s32 $0x2, v0;
	v6 =	vld.idx.msk [tilespmem:v6+s20+$0x0], $0xffff  }
0x11e: {  	v12 =	vadd.s32 $0x5, v4;
	v8 =	vmul.u32 $0x9, v8  }
0x11f: {  	v13 =	vld.idx.msk [tilespmem:v1+s20+$0x0], $0xffff;
	[tilespmem:s9+$0xEF00] =	vst v9  }
0x120: {  	s25 =	simm.s32 $0x3E50;
	v8 =	vadd.s32 v11, v8;
	v9 =	vld.idx.msk [tilespmem:v10+s20+$0x0], $0xffff;
	v10 =	vadd.s32 $0x1, v1  }
0x121: {  	s26 =	simm.s32 $0x30;
	s16 =	simm.s32 $0x180;
	v14 =	vadd.s32 $0x4, v5;
	v11 =	vld [tilespmem:s25+$0x0];
	v8 =	vmul.u32 $0x41, v8;
	[tilespmem:s15+$0xEE80] =	vst v2  }
0x122: {  	s7 =	sand.u32 $0x70, s26;
	s8 =	sand.u32 $0x7C00, s16;
	v7 =	vld.idx.msk [tilespmem:v7+s20+$0x0], $0xffff;
	[tilespmem:s12+$0xF000] =	vst v6  }
0x123: {  	s6 =	sor.u32 s7, s8;
	s10 =	simm.s32 $0x5E50;
	v2 =	vadd.s32 v3, v8;
	v6 =	vld.idx.msk [tilespmem:v12+s20+$0x0], $0xffff  }
0x124: {  	v8 =	vadd.s32 $0x3, v0;
	v12 =	vld [tilespmem:s10+$0x0];
	[tilespmem:s6+$0xEE00] =	vst v13  }
0x125: {  	v13 =	vadd.s32 $0x6, v4;
	v10 =	vld.idx.msk [tilespmem:v10+s20+$0x0], $0xffff;
	[tilespmem:s9+$0xEF80] =	vst v9  }
0x126: {  	s23 =	simm.s32 $0x5E60;
	v9 =	vld.idx.msk [tilespmem:v14+s20+$0x0], $0xffff  }
0x127: {  	v62 =	vld [tilespmem:s23+$0x0];
	v11 =	vmul.u32 $0x9, v11;
	v14 =	vadd.s32 $0x2, v1  }
0x128: {  	v15 =	vld.idx.msk [tilespmem:v2+s20+$0x0], $0xffff;
	[tilespmem:s15+$0xEF00] =	vst v7;
	v7 =	vadd.s32 $0x5, v5  }
0x129: {  	v8 =	vld.idx.msk [tilespmem:v8+s20+$0x0], $0xffff;
	[tilespmem:s12+$0xF080] =	vst v6;
	v6 =	vadd.s32 v12, v11;
	v11 =	vadd.s32 $0x1, v2  }
0x12a: {  	s13 =	simm.s32 $0x3E60;
	s8 =	simm.s32 $0x200;
	s17 =	simm.s32 $0x40;
	v12 =	vld.idx.msk [tilespmem:v13+s20+$0x0], $0xffff;
	v6 =	vmul.u32 $0x41, v6;
	[tilespmem:s6+$0xEE80] =	vst v10;
	v10 =	vadd.s32 $0x4, v0  }
0x12b: {  	s21 =	sand.u32 $0x7C00, s8;
	s18 =	sand.u32 $0x70, s17;
	v13 =	vld [tilespmem:s13+$0x0];
	[tilespmem:s9+$0xF000] =	vst v9;
	v9 =	vadd.s32 $0x7, v4  }
0x12c: {  	s10 =	sor.u32 s18, s21;
	v14 =	vld.idx.msk [tilespmem:v14+s20+$0x0], $0xffff;
	v4 =	vadd.s32 v3, v6  }
0x12d: {  	[tilespmem:s10+$0xEE00] =	vst v15;
	v7 =	vld.idx.msk [tilespmem:v7+s20+$0x0], $0xffff;
	v6 =	vadd.s32 $0x3, v1  }
0x12e: {  	[tilespmem:s15+$0xEF80] =	vst v8;
	v11 =	vld.idx.msk [tilespmem:v11+s20+$0x0], $0xffff  }
0x12f: {  	v8 =	vadd.s32 $0x6, v5;
	v10 =	vld.idx.msk [tilespmem:v10+s20+$0x0], $0xffff;
	[tilespmem:s12+$0xF100] =	vst v12  }
0x130: {  	v15 =	vadd.s32 $0x2, v2;
	v13 =	vmul.u32 $0x9, v13;
	v9 =	vld.idx.msk [tilespmem:v9+s20+$0x0], $0xffff  }
0x131: {  	v63 =	vadd.s32 $0x5, v0;
	[tilespmem:s6+$0xEF00] =	vst v14;
	v12 =	vld.idx.msk [tilespmem:v4+s20+$0x0], $0xffff  }
0x132: {  	s24 =	simm.s32 $0x50;
	s25 =	sand.u32 $0x7, s1;
	s18 =	simm.s32 $0x3E70;
	v6 =	vld.idx.msk [tilespmem:v6+s20+$0x0], $0xffff;
	[tilespmem:s9+$0xF080] =	vst v7;
	v14 =	vadd.s32 v62, v13  }
0x133: {  	s2 =	sand.u32 $0x70, s24;
	s7 =	sshll.u32 s25, $0x4;
	v13 =	vld [tilespmem:s18+$0x0];
	v16 =	vmul.u32 $0x41, v14;
	v14 =	vadd.s32 $0x1, v4;
	[tilespmem:s10+$0xEE80] =	vst v11  }
0x134: {  	s24 =	simm.s32 $0x5E70;
	s7 =	sadd.s32 $0x0, s7;
	s12 =	simm.s32 $0x280;
	v7 =	vld.idx.msk [tilespmem:v8+s20+$0x0], $0xffff;
	[tilespmem:s15+$0xF000] =	vst v10;
	v10 =	vadd.s32 $0x4, v1  }
0x135: {  	s17 =	simm.s32 $0x70;
	s7 =	sor.u32 $0x380, s7;
	s26 =	sand.u32 $0x7C00, s12;
	v8 =	vadd.s32 $0x7, v5;
	v11 =	vld.idx.msk [tilespmem:v15+s20+$0x0], $0xffff  }
0x136: {  	s21 =	simm.s32 $0x80;
	s13 =	simm.s32 $0x60;
	s31 =	sor.u32 s2, s26;
	v5 =	vadd.s32 v3, v16;
	[tilespmem:s7+$0xEE00] =	vst v9;
	v9 =	vld.idx.msk [tilespmem:v63+s20+$0x0], $0xffff  }
.LBB2_7:
0x137: {  	p0 =	sne.s32 s21, $0xFF0;
	v15 =	vld [tilespmem:s24+$0x0];
	[tilespmem:s31+$0xEE00] =	vst v12;
	v16 =	vadd.s32 $0x3, v2;
	s2 =	smov.u32 s0;
	s0 =	smov.u32 s16  }
0x138: {  	v18 =	vadd.s32 $0x6, v0;
	s16 =	smov.u32 s8;
	s8 =	smov.u32 s12;
	s7 =	smov.u32 s13;
	v17 =	vld.idx.msk [tilespmem:v14+s20+$0x0], $0xffff;
	[tilespmem:s6+$0xEF80] =	vst v6  }
0x139: {  	s13 =	smov.u32 s17;
	s17 =	smov.u32 s21;
	v19 =	vld.idx.msk [tilespmem:v10+s20+$0x0], $0xffff;
	[tilespmem:s9+$0xF100] =	vst v7;
	s9 =	smov.u32 s15  }
0x13a: {  	v20 =	vadd.s32 $0x2, v4;
	s15 =	smov.u32 s6;
	s6 =	smov.u32 s10;
	s10 =	smov.u32 s31;
	v21 =	vld.idx.msk [tilespmem:v8+s20+$0x0], $0xffff  }
0x13b: {  	v22 =	vadd.s32 $0x5, v1;
	s1 =	sadd.s32 $0x1, s1;
	v7 =	vmul.u32 $0x9, v13;
	v12 =	vld.idx.msk [tilespmem:v5+s20+$0x0], $0xffff;
	[tilespmem:s6+$0xEF00] =	vst v11  }
.Ltmp2:
0x13c: {  	s23 =	sand.u32 $0x7, s1;
	v6 =	vld.idx.msk [tilespmem:v16+s20+$0x0], $0xffff;
	[tilespmem:s9+$0xF080] =	vst v9;
	(pc) =	sbr.rel @p0 .LBB2_7-.Ltmp2, $4  }
0x13d: {  	s18 =	sadd.s32 $0x10, s18;
	v14 =	vadd.s32 $0x1, v5;
	s23 =	sshll.u32 s23, $0x4;
	v8 =	vadd.s32 v15, v7;
	v7 =	vld.idx.msk [tilespmem:v18+s20+$0x0], $0xffff  }
0x13e: {  	s12 =	sadd.s32 $0x80, s12;
	v10 =	vadd.s32 $0x4, v2;
	s23 =	sadd.s32 s23, s14;
	s14 =	smov.u32 s2;
	v9 =	vmul.u32 $0x41, v8;
	v13 =	vld [tilespmem:s18+$0x0];
	[tilespmem:s10+$0xEE80] =	vst v17  }
0x13f: {  	s2 =	sand.u32 $0x70, s7;
	s7 =	sand.u32 $0x7C00, s12;
	s23 =	sor.u32 $0x380, s23;
	v8 =	vadd.s32 $0x7, v0;
	v0 =	vmovc v1;
	v1 =	vmovc v2;
	v2 =	vmov v4;
	v4 =	vmov v5;
	v11 =	vld.idx.msk [tilespmem:v20+s20+$0x0], $0xffff;
	[tilespmem:s15+$0xF000] =	vst v19  }
0x140: {  	s21 =	sadd.s32 $0x10, s21;
	s24 =	sadd.s32 $0x10, s24;
	s31 =	sor.u32 s2, s7;
	v5 =	vadd.s32 v3, v9;
	v9 =	vld.idx.msk [tilespmem:v22+s20+$0x0], $0xffff;
	[tilespmem:s23+$0xEE00] =	vst v21  }
0x141: {  	v15 =	vld [tilespmem:s24+$0x0];
	_ =	sdelay $0x2  }
0x142: {  	v13 =	vmul.u32 $0x9, v13;
	_ =	sdelay $0x1  }
0x143: {  	v13 =	vadd.s32 v15, v13  }
0x144: {  	v13 =	vmul.u32 $0x41, v13;
	_ =	sdelay $0x1  }
0x145: {  	v3 =	vadd.s32 v3, v13;
	_ =	sdelay $0x3  }
0x146: {  	v31 =	vld.idx.msk [tilespmem:v5+s20+$0x0], $0xffff  }
0x147: {  	v32 =	vadd.s32 $0x1, v5;
	v16 =	vld.idx.msk [tilespmem:v3+s20+$0x0], $0xffff  }
0x148: {  	s24 =	sadd.s32 $0x80, s12;
	v17 =	vadd.s32 $0x1, v3  }
0x149: {  	s2 =	sand.u32 $0x70, s13;
	s7 =	sand.u32 $0x7C00, s24;
	s13 =	sadd.s32 $0x80, s24  }
0x14a: {  	[tilespmem:s31+$0xEE00] =	vst v12;
	s23 =	sand.u32 $0x70, s17;
	s18 =	sor.u32 s2, s7;
	s25 =	sand.u32 $0x7C00, s13  }
0x14b: {  	v12 =	vld.idx.msk [tilespmem:v14+s20+$0x0], $0xffff;
	s17 =	sor.u32 s23, s25;
	[tilespmem:s18+$0xEE00] =	vst v31  }
0x14c: {  	v33 =	vadd.s32 $0x2, v4;
	v34 =	vld.idx.msk [tilespmem:v32+s20+$0x0], $0xffff;
	[tilespmem:s17+$0xEE00] =	vst v16  }
0x14d: {  	v35 =	vadd.s32 $0x2, v5;
	v16 =	vld.idx.msk [tilespmem:v17+s20+$0x0], $0xffff  }
0x14e: {  	v36 =	vadd.s32 $0x2, v3;
	_ =	sdelay $0x1  }
0x14f: {  	[tilespmem:s31+$0xEE80] =	vst v12  }
0x150: {  	v37 =	vadd.s32 $0x3, v2;
	v13 =	vld.idx.msk [tilespmem:v33+s20+$0x0], $0xffff;
	[tilespmem:s18+$0xEE80] =	vst v34  }
0x151: {  	v38 =	vadd.s32 $0x3, v4;
	v15 =	vld.idx.msk [tilespmem:v35+s20+$0x0], $0xffff;
	[tilespmem:s17+$0xEE80] =	vst v16  }
0x152: {  	v39 =	vadd.s32 $0x3, v5;
	v17 =	vld.idx.msk [tilespmem:v36+s20+$0x0], $0xffff  }
0x153: {  	v18 =	vadd.s32 $0x3, v3  }
0x154: {  	[tilespmem:s10+$0xEF00] =	vst v11  }
0x155: {  	v11 =	vld.idx.msk [tilespmem:v37+s20+$0x0], $0xffff;
	[tilespmem:s31+$0xEF00] =	vst v13  }
0x156: {  	v40 =	vadd.s32 $0x4, v2;
	v13 =	vld.idx.msk [tilespmem:v38+s20+$0x0], $0xffff;
	[tilespmem:s18+$0xEF00] =	vst v15  }
0x157: {  	v41 =	vadd.s32 $0x4, v4;
	v15 =	vld.idx.msk [tilespmem:v39+s20+$0x0], $0xffff;
	[tilespmem:s17+$0xEF00] =	vst v17  }
0x158: {  	[tilespmem:s6+$0xEF80] =	vst v6;
	v42 =	vadd.s32 $0x4, v5;
	v43 =	vld.idx.msk [tilespmem:v18+s20+$0x0], $0xffff  }
0x159: {  	[tilespmem:s9+$0xF100] =	vst v7;
	v44 =	vadd.s32 $0x4, v3  }
0x15a: {  	v10 =	vld.idx.msk [tilespmem:v10+s20+$0x0], $0xffff;
	[tilespmem:s10+$0xEF80] =	vst v11  }
0x15b: {  	v45 =	vadd.s32 $0x5, v1;
	v12 =	vld.idx.msk [tilespmem:v40+s20+$0x0], $0xffff;
	[tilespmem:s31+$0xEF80] =	vst v13  }
0x15c: {  	v46 =	vadd.s32 $0x5, v2;
	v14 =	vld.idx.msk [tilespmem:v41+s20+$0x0], $0xffff;
	[tilespmem:s18+$0xEF80] =	vst v15  }
0x15d: {  	v47 =	vadd.s32 $0x5, v4;
	v6 =	vld.idx.msk [tilespmem:v42+s20+$0x0], $0xffff;
	[tilespmem:s17+$0xEF80] =	vst v43  }
0x15e: {  	v48 =	vadd.s32 $0x5, v5;
	[tilespmem:s15+$0xF080] =	vst v9;
	v7 =	vld.idx.msk [tilespmem:v44+s20+$0x0], $0xffff  }
0x15f: {  	s1 =	sadd.s32 $0x1, s1;
	v8 =	vld.idx.msk [tilespmem:v8+s20+$0x0], $0xffff;
	[tilespmem:s6+$0xF000] =	vst v10;
	v49 =	vadd.s32 $0x5, v3  }
0x160: {  	v50 =	vadd.s32 $0x6, v0;
	s26 =	sand.u32 $0x7, s1;
	v11 =	vld.idx.msk [tilespmem:v45+s20+$0x0], $0xffff;
	[tilespmem:s10+$0xF000] =	vst v12  }
0x161: {  	v51 =	vadd.s32 $0x6, v1;
	s2 =	sshll.u32 s26, $0x4;
	v13 =	vld.idx.msk [tilespmem:v46+s20+$0x0], $0xffff;
	[tilespmem:s31+$0xF000] =	vst v14  }
0x162: {  	v52 =	vadd.s32 $0x6, v2;
	s2 =	sadd.s32 s2, s14;
	v15 =	vld.idx.msk [tilespmem:v47+s20+$0x0], $0xffff;
	[tilespmem:s18+$0xF000] =	vst v6  }
0x163: {  	v53 =	vadd.s32 $0x6, v4;
	s2 =	sor.u32 $0x380, s2;
	v9 =	vld.idx.msk [tilespmem:v48+s20+$0x0], $0xffff;
	[tilespmem:s17+$0xF000] =	vst v7  }
0x164: {  	v54 =	vadd.s32 $0x6, v5;
	[tilespmem:s2+$0xEE00] =	vst v8;
	v55 =	vld.idx.msk [tilespmem:v49+s20+$0x0], $0xffff  }
0x165: {  	v56 =	vld.idx.msk [tilespmem:v50+s20+$0x0], $0xffff;
	v57 =	vadd.s32 $0x6, v3;
	[tilespmem:s6+$0xF080] =	vst v11  }
0x166: {  	v58 =	vadd.s32 $0x7, v0;
	v12 =	vld.idx.msk [tilespmem:v51+s20+$0x0], $0xffff;
	[tilespmem:s10+$0xF080] =	vst v13  }
0x167: {  	v59 =	vadd.s32 $0x7, v1;
	v13 =	vld.idx.msk [tilespmem:v52+s20+$0x0], $0xffff;
	[tilespmem:s31+$0xF080] =	vst v15  }
0x168: {  	v60 =	vadd.s32 $0x7, v2;
	s1 =	sadd.s32 $0x1, s1;
	v6 =	vld.idx.msk [tilespmem:v53+s20+$0x0], $0xffff;
	[tilespmem:s18+$0xF080] =	vst v9  }
0x169: {  	v61 =	vadd.s32 $0x7, v4;
	s29 =	sadd.s32 $0x1, s29;
	s7 =	sand.u32 $0x7, s1;
	s1 =	sadd.s32 $0x1, s1;
	v7 =	vld.idx.msk [tilespmem:v54+s20+$0x0], $0xffff;
	[tilespmem:s17+$0xF080] =	vst v55  }
0x16a: {  	v62 =	vadd.s32 $0x7, v5;
	p0 =	sne.s32 s29, $0x19;
	s9 =	sand.u32 $0x7, s1;
	[tilespmem:s15+$0xF100] =	vst v56;
	v8 =	vld.idx.msk [tilespmem:v57+s20+$0x0], $0xffff  }
0x16b: {  	s1 =	sadd.s32 $0x1, s1;
	s14 =	sshll.u32 s9, $0x4;
	s2 =	sshll.u32 s7, $0x4;
	v0 =	vld.idx.msk [tilespmem:v58+s20+$0x0], $0xffff;
	v3 =	vadd.s32 $0x7, v3;
	[tilespmem:s6+$0xF100] =	vst v12  }
0x16c: {  	s0 =	sadd.s32 s2, s0;
	s15 =	sand.u32 $0x7, s1;
	s1 =	sadd.s32 $0x1, s1;
	v1 =	vld.idx.msk [tilespmem:v59+s20+$0x0], $0xffff;
	[tilespmem:s10+$0xF100] =	vst v13  }
0x16d: {  	s2 =	sadd.s32 s14, s16;
	s16 =	sand.u32 $0x7, s1;
	s1 =	sadd.s32 $0x1, s1;
	v2 =	vld.idx.msk [tilespmem:v60+s20+$0x0], $0xffff;
	[tilespmem:s31+$0xF100] =	vst v6  }
0x16e: {  	s0 =	sor.u32 $0x380, s0;
	s2 =	sor.u32 $0x380, s2;
	s21 =	sand.u32 $0x7, s1;
	v4 =	vld.idx.msk [tilespmem:v61+s20+$0x0], $0xffff;
	[tilespmem:s18+$0xF100] =	vst v7  }
0x16f: {  	s1 =	sadd.s32 $0x1, s1;
	s23 =	sshll.u32 s21, $0x4;
	s6 =	sshll.u32 s15, $0x4;
	v5 =	vld.idx.msk [tilespmem:v62+s20+$0x0], $0xffff;
	[tilespmem:s17+$0xF100] =	vst v8  }
0x170: {  	s1 =	sand.u32 $0x7, s1;
	[tilespmem:s0+$0xEE00] =	vst v0;
	s6 =	sadd.s32 s6, s8;
	s18 =	sshll.u32 s16, $0x4;
	v63 =	vld.idx.msk [tilespmem:v3+s20+$0x0], $0xffff  }
0x171: {  	s1 =	sshll.u32 s1, $0x4;
	s6 =	sor.u32 $0x380, s6;
	[tilespmem:s2+$0xEE00] =	vst v1;
	s0 =	sadd.s32 s18, s12  }
.Ltmp3:
0x172: {  	s2 =	sadd.s32 s23, s24;
	[tilespmem:s6+$0xEE00] =	vst v2;
	s0 =	sor.u32 $0x380, s0;
	(pc) =	sbr.rel @p0 .LBB2_4-.Ltmp3, $4  }
0x173: {  	s1 =	sadd.s32 s1, s13;
	s24 =	sor.u32 $0x380, s2;
	[tilespmem:s0+$0xEE00] =	vst v4  }
0x174: {  	s26 =	sshll.u32 s30, $0xC;
	s30 =	rddreg [dreg:$0x1];
	s25 =	sor.u32 $0x380, s1;
	[tilespmem:s24+$0xEE00] =	vst v5  }
0x175: {  	s31 =	simm.s32 $0xEE00;
	s0 =	sadd.s32 s30, s26;
	[tilespmem:s25+$0xEE00] =	vst v63  }
0x176: {  	[hbm4b:s0+s3] =	stream.linear.scatter [tilespmem:s31], [sflag:$0x2], $0x8000, $0x38;
	[tilespmem:$0x16E00] =	vst v63  }
0x177: {  	s0 =	simm.s32 $0x1  }
0x178: {  	_ =	swait.ge [sflag:s0], $0x8000  }
0x179: {  	[sflag:s0] =	ssyncset.done $0x0  }
0x17a: {  	s1 =	simm.s32 $0x2;
	[sflag:s0] =	ssyncadd.s32 $0xFFFF8000  }
0x17b: {  	_ =	swait.ge [sflag:s1], $0x8000  }
0x17c: {  	s2 =	rddreg [dreg:$0x9]  }
0x17d: {  	s31 =	rddreg [dreg:$0x8];
	s2 =	sadd.s32 $0x1, s2  }
0x17e: {  	p0 =	sne.s32 s2, s31  }
.Ltmp4:
0x17f: {  	_ = 	snop;
	(pc) =	sbr.rel @p0 .LBB2_1-.Ltmp4, $3  }
0x180: {  	_ =	sdelay $0x1  }
0x181: {  	[sflag:s1] =	ssyncset.done $0x0  }
0x182: {  	[sflag:s1] =	ssyncadd.s32 $0xFFFF8000  }
0x183: {  	_ =	sfence.sel $0x180000  }
0x184: {  	[bflag:$0x0] =	sbarrier.arrive $0xFFFF  }
0x185: {  	_ =	strace $0x90000047  }
0x186: {  	s0 =	stileid.u32;
	[bflag:$0x2] =	sbarrier.arrive $0xFFFF  }
0x187: {  	p0 =	sne.s32 s0, $0x0;
	s0 =	rddreg [dreg:$0x2]  }
0x188: {  	s0 =	sadd.s32 @!p0 $0x100000, s0  }
0x189: {  	[sflag:s0] =	ssyncadd.tile.s32 @!p0 $0x1;
	_ =	shalt  }
.Lfunc_end2:
_tile_overlayer_lowered:
.L_overlay_start_2:
0x18a: {  	(tag) =	ssettag $0x2  }
0x18b: {  	s0 =	rddreg [dreg:$0x0];
	s2 =	stileid.u32  }
0x18c: {  	s1 =	rddreg [dreg:$0x1];
	p0 =	sne.s32 s2, $0x0  }
0x18d: {  	s3 =	rddreg [dreg:$0x2];
	[bflag:$0x3] =	sbarrier.arrive $0xFFFF;
	s2 =	simm.s32 @!p0 $0x1C05  }
0x18e: {  	[timem:s3], [sflag:s2] =	dma.local @!p0 [hbm:s0], s1  }
0x18f: {  	s0 =	simm.s32 @!p0 $0x5  }
0x190: {  	_ =	swait.ge @!p0 [sflag:s0], s1  }
0x191: {  	s1 =	ssub.s32 @!p0 $0x0, s1;
	[sflag:s0] =	ssyncset.done @!p0 $0x0  }
0x192: {  	[sflag:s0] =	ssyncadd.s32 @!p0 s1  }
0x193: {  	[bflag:$0x3] =	sbarrier.arrive $0xFFFF  }
0x194: {  	_ =	shalt  }

</sc_bundles>
